<compile_context>
chip_gen: v7x
topology: tpu7x:2x2x1
jax: 0.10.2.dev20260603
libtpu: 0.0.44.dev20260713+nightly
codegen_flags: <defaults>
</compile_context>

<pallas_src>
import jax
import jax.numpy as jnp
from jax import lax
from jax.experimental import pallas as pl
from jax.experimental.pallas import tpu as pltpu
from jax.experimental.pallas import tpu_sc as plsc

_MAXC = 128
_SIGMA = 0.5
_LANES = 16
_NW = 32
_NC = 2


def _sc_gather_aabb(packed, faces, B, V3, Fn, FP):
    NSUB = _NW // B
    chunk = FP // NSUB
    G = chunk // _LANES
    V3p = -(-V3 // 8) * 8
    nrows = B * 9 + 3
    mesh = plsc.VectorSubcoreMesh(core_axis_name="c", subcore_axis_name="s")

    def body(packed_hbm, faces_hbm, out_hbm, vbuf, fbuf, comb, sem):
        b = lax.axis_index("c")
        p = lax.axis_index("s")
        fstart = jnp.minimum(p * chunk, Fn - chunk)
        pltpu.sync_copy(
            packed_hbm.at[pl.ds(pl.multiple_of(b * V3p, 8), V3)], vbuf)
        pltpu.sync_copy(
            faces_hbm.at[pl.ds(pl.multiple_of(fstart * 3, 8), chunk * 3)],
            fbuf)
        lane = lax.iota(jnp.int32, _LANES)
        row0 = b * 9

        def grp(g, carry):
            goff = pl.multiple_of(g * _LANES, _LANES)
            for s in range(3):
                fid = plsc.load_gather(fbuf, [(lane + goff) * 3 + s])
                comb[pl.ds((9 + s) * chunk + goff,
                           _LANES)] = plsc.bitcast(fid, jnp.float32)
                idx3 = fid * 3
                for c in range(3):
                    comb[pl.ds((3 * s + c) * chunk + goff,
                               _LANES)] = plsc.load_gather(vbuf, [idx3 + c])
            return carry

        lax.fori_loop(0, G, grp, 0)
        handles = []
        for d in range(9):
            handles.append(pltpu.async_copy(
                comb.at[pl.ds(d * chunk, chunk)],
                out_hbm.at[pl.ds(pl.multiple_of((row0 + d) * FP + fstart, 8),
                                 chunk)],
                sem))
        for s in range(3):
            handles.append(pltpu.async_copy(
                comb.at[pl.ds((9 + s) * chunk, chunk)],
                out_hbm.at[pl.ds(pl.multiple_of((B * 9 + s) * FP + fstart, 8),
                                 chunk)],
                sem))
        for h in handles:
            h.wait()

    fn = pl.kernel(
        body,
        mesh=mesh,
        compiler_params=pltpu.CompilerParams(needs_layout_passes=False),
        out_type=jax.ShapeDtypeStruct((nrows * FP,), jnp.float32),
        scratch_types=[
            pltpu.VMEM((V3,), jnp.float32),
            pltpu.VMEM((3 * chunk,), jnp.int32),
            pltpu.VMEM((12 * chunk,), jnp.float32),
            pltpu.SemaphoreType.DMA,
        ],
    )
    return fn(packed, faces)


def _tc_search_loss(comb_all, B, Fn):
    _, G2, L = comb_all.shape

    def body(comb_ref, out_ref):
        jidx = (lax.broadcasted_iota(jnp.int32, (G2, L), 0) * L
                + lax.broadcasted_iota(jnp.int32, (G2, L), 1))
        in_f = jidx < Fn
        triu = (lax.broadcasted_iota(jnp.int32, (L, L), 0)
                <= lax.broadcasted_iota(jnp.int32, (L, L), 1)
                ).astype(jnp.float32)
        tril_s = (lax.broadcasted_iota(jnp.int32, (G2, G2), 0)
                  > lax.broadcasted_iota(jnp.int32, (G2, G2), 1)
                  ).astype(jnp.float32)
        fa = [lax.bitcast_convert_type(comb_ref[B * 9 + t], jnp.int32)
              for t in range(3)]

        total = jnp.float32(0.0)
        for b in range(B):
            tri = [comb_ref[b * 9 + d] for d in range(9)]
            mn = [jnp.minimum(jnp.minimum(tri[d], tri[3 + d]), tri[6 + d])
                  for d in range(3)]
            mx = [jnp.maximum(jnp.maximum(tri[d], tri[3 + d]), tri[6 + d])
                  for d in range(3)]

            def cond(st):
                i, cnt, acc = st
                return jnp.logical_and(cnt < _MAXC, i < Fn)

            def step(st, tri=tri, mn=mn, mx=mx):
                i, cnt, acc = st
                sel = jidx == i

                def exf(x):
                    return jnp.sum(jnp.where(sel, x, 0.0))

                v = [exf(tri[d]) for d in range(9)]
                mni = [exf(mn[d]) for d in range(3)]
                mxi = [exf(mx[d]) for d in range(3)]
                fi = [jnp.sum(jnp.where(sel, fa[t], 0)) for t in range(3)]

                ok = jnp.logical_and(in_f, jidx > i)
                for d in range(3):
                    ok = ok & (mni[d] <= mx[d]) & (mxi[d] >= mn[d])
                sh = fa[0] == fi[0]
                for s in range(3):
                    for t in range(3):
                        if s == 0 and t == 0:
                            continue
                        sh = sh | (fa[t] == fi[s])
                valid = ok & jnp.logical_not(sh)
                validf = valid.astype(jnp.float32)
                crow = jnp.sum(valid.astype(jnp.int32))

                cx = (v[0] + v[3] + v[6]) / 3.0
                cy = (v[1] + v[4] + v[7]) / 3.0
                cz = (v[2] + v[5] + v[8]) / 3.0
                e0x, e0y, e0z = v[3] - v[0], v[4] - v[1], v[5] - v[2]
                e1x, e1y, e1z = v[6] - v[0], v[7] - v[1], v[8] - v[2]
                nx = e0y * e1z - e0z * e1y
                ny = e0z * e1x - e0x * e1z
                nz = e0x * e1y - e0y * e1x
                nn = jnp.sqrt(nx * nx + ny * ny + nz * nz) + 1e-9
                nhx, nhy, nhz = nx / nn, ny / nn, nz / nn
                r = jnp.float32(0.0)
                for k in range(3):
                    dxk = v[3 * k + 0] - cx
                    dyk = v[3 * k + 1] - cy
                    dzk = v[3 * k + 2] - cz
                    r = jnp.maximum(
                        r, jnp.sqrt(dxk * dxk + dyk * dyk + dzk * dzk))
                rinv = 1.0 / (r + 1e-9)

                lossj = jnp.zeros((G2, L), jnp.float32)
                for k in range(3):
                    dx = tri[3 * k + 0] - cx
                    dy = tri[3 * k + 1] - cy
                    dz = tri[3 * k + 2] - cz
                    h = dx * nhx + dy * nhy + dz * nhz
                    rx = dx - h * nhx
                    ry = dy - h * nhy
                    rz = dz - h * nhz
                    rho = jnp.sqrt(rx * rx + ry * ry + rz * rz)
                    phi = (jnp.maximum(1.0 - jnp.abs(h) / _SIGMA, 0.0)
                           * jnp.maximum(1.0 - rho * rinv, 0.0))
                    lossj = lossj + ((phi * dx) ** 2 + (phi * dy) ** 2
                                     + (phi * dz) ** 2)

                within = jnp.dot(validf, triu,
                                 preferred_element_type=jnp.float32)
                pref = jnp.dot(tril_s, within,
                               preferred_element_type=jnp.float32)
                cum = pref[:, L - 1:L] + within
                rem_f = (_MAXC - cnt).astype(jnp.float32)
                inc = valid & (cum <= rem_f)
                acc = acc + jnp.sum(jnp.where(inc, lossj, 0.0))
                cnt = jnp.minimum(cnt + crow, _MAXC)
                return i + 1, cnt, acc

            _, _, accb = lax.while_loop(
                cond, step,
                (jnp.int32(0), jnp.int32(0), jnp.float32(0.0)))
            total = total + accb
        out_ref[0, 0] = total

    out = pl.pallas_call(
        body,
        out_shape=jax.ShapeDtypeStruct((1, 1), jnp.float32),
        out_specs=pl.BlockSpec(memory_space=pltpu.SMEM),
    )(comb_all)
    return out[0, 0]


def kernel(vertices, faces):
    B, V, _ = vertices.shape
    Fn = faces.shape[0]
    FP = -(-Fn // (_NW * _LANES)) * (_NW * _LANES)
    V3 = V * 3

    V3p = -(-V3 // 8) * 8
    packed = jnp.pad(vertices.reshape(B, V3),
                     ((0, 0), (0, V3p - V3))).reshape(-1)

    comb = _sc_gather_aabb(packed, faces.astype(jnp.int32).reshape(-1),
                           B, V3, Fn, FP)
    comb_all = comb.reshape(B * 9 + 3, FP // 128, 128)
    return _tc_search_loss(comb_all, B, Fn)

# --- scband reference (transcript-rebuilt; emitter-appended) ---
"""Pipeline reference for scband-interpenetration-71949292142878 (READ-ONLY COPY).

The authoritative reference and input builder live on the scoring server;
editing this copy changes nothing except your own understanding.
"""

import jax, jax.numpy as jnp
import numpy as np

MAX_COLLISIONS = 128
SIGMA = 0.5
PENALIZE_OUTSIDE = True
POINT2PLANE = False


def setup_inputs(seed: int = 0) -> dict:
    key = jax.random.key(seed)
    k1, k2 = jax.random.split(key)
    B, V, F = 2, 2502, 5000
    vertices = jax.random.normal(k1, (B, V, 3), dtype=jnp.float32)
    faces = jax.random.randint(k2, (F, 3), 0, V, dtype=jnp.int32)
    return {"vertices": vertices, "faces": faces}


def shared_vertex_mask(faces, chunk=500):
    F = faces.shape[0]
    out = []
    for s in range(0, F, chunk):
        fc = faces[s:s + chunk]
        m = jnp.any(fc[:, None, :, None] == faces[None, :, None, :], axis=(-1, -2))
        out.append(m)
    return jnp.concatenate(out, axis=0)


def find_collisions(tris, shared):
    # tris: [F,3,3] triangle vertices; emulates BVH broad-phase (AABB overlap,
    # excluding triangle pairs that share vertices), capped at MAX_COLLISIONS.
    F = tris.shape[0]
    mn = tris.min(axis=1)
    mx = tris.max(axis=1)
    overlap = jnp.all((mn[:, None, :] <= mx[None, :, :]) & (mx[:, None, :] >= mn[None, :, :]), axis=-1)
    iu = jnp.triu(jnp.ones((F, F), dtype=bool), k=1)
    valid = overlap & iu & (~shared)
    scores = valid.reshape(-1).astype(jnp.float32)
    top_vals, top_idx = jax.lax.top_k(scores, MAX_COLLISIONS)
    i = top_idx // F
    j = top_idx % F
    pair = jnp.stack([i, j], axis=-1)
    pair = jnp.where(top_vals[:, None] > 0, pair, -1)
    return pair  # [MAX_COLLISIONS, 2]


def cone_distance_field_loss(recv, intr):
    # recv, intr: [C,3,3]. Conical 3D distance field penetration penalty.
    c = recv.mean(axis=1)
    e0 = recv[:, 1] - recv[:, 0]
    e1 = recv[:, 2] - recv[:, 0]
    n = jnp.cross(e0, e1)
    n_hat = n / (jnp.linalg.norm(n, axis=-1, keepdims=True) + 1e-9)
    r = jnp.max(jnp.linalg.norm(recv - c[:, None, :], axis=-1), axis=-1)
    d = intr - c[:, None, :]
    h = jnp.sum(d * n_hat[:, None, :], axis=-1)
    radial = d - h[..., None] * n_hat[:, None, :]
    rho = jnp.linalg.norm(radial, axis=-1)
    if PENALIZE_OUTSIDE:
        hh = jnp.abs(h)
    else:
        hh = jax.nn.relu(-h)
    phi = jax.nn.relu(1.0 - hh / SIGMA) * jax.nn.relu(1.0 - rho / (r[:, None] + 1e-9))
    if POINT2PLANE:
        loss = jnp.sum((phi * h) ** 2, axis=-1)
    else:
        vec = phi[..., None] * d
        loss = jnp.sum(vec ** 2, axis=(-1, -2))
    return loss  # [C]


def reference(vertices, faces):
    B = vertices.shape[0]
    Fn = faces.shape[0]
    flat = faces.reshape(-1)
    triangles = jnp.take(vertices, flat, axis=1).reshape(B, Fn, 3, 3)
    shared = shared_vertex_mask(faces)
    # collision search is under no_grad in the original module
    tris_ng = jax.lax.stop_gradient(triangles)
    collision_idxs = jax.vmap(lambda t: find_collisions(t, shared))(tris_ng)

    def per_batch(tris, pairs):
        valid = pairs[:, 0] >= 0
        ri = jnp.clip(pairs[:, 0], 0, Fn - 1)
        ii = jnp.clip(pairs[:, 1], 0, Fn - 1)
        recv = tris[ri]
        intr = tris[ii]
        l = cone_distance_field_loss(recv, intr)
        return jnp.sum(jnp.where(valid, l, 0.0))

    losses = jax.vmap(per_batch)(triangles, collision_idxs)
    return jnp.sum(losses)

if __name__ == "__main__":
    import jax
    _d = setup_inputs()
    print(jax.jit(kernel)(*tuple(_d.values())))

</pallas_src>

<mosaic_0001>
#map = affine_map<(d0, d1) -> (0)>
module attributes {stable_mosaic.version = 14 : i64} {
  func.func @body(%arg0: i32, %arg1: i32, %arg2: memref<15024xf32, #tpu.memory_space<hbm>>, %arg3: memref<15000xi32, #tpu.memory_space<hbm>>, %arg4: memref<107520xf32, #tpu.memory_space<hbm>>, %arg5: memref<7506xf32, #tpu.memory_space<vmem>>, %arg6: memref<960xi32, #tpu.memory_space<vmem>>, %arg7: memref<3840xf32, #tpu.memory_space<vmem>>, %arg8: memref<!tpu.dma_semaphore, #tpu.memory_space<semaphore_mem>>) attributes {dimension_semantics = [#tpu.dimension_semantics<core_parallel>, #tpu.dimension_semantics<subcore_parallel>], iteration_bounds = array<i64: 2, 16>, scalar_prefetch = 0 : i64, scratch_operands = 4 : i64, tpu.core_type = #tpu.core_type<sc_vector_subcore>, window_params = [{transform_indices = #map}, {transform_indices = #map}, {transform_indices = #map}]} {
    %mul3A = arith.constant 320 : i32
    %mul3A_0 = arith.muli %arg1, %mul3A : i32
    %min3A = arith.constant 4680 : i32
    %min3A_1 = arith.minsi %mul3A_0, %min3A : i32
    %mul3A_2 = arith.constant 7512 : i32
    %mul3A_3 = arith.muli %arg0, %mul3A_2 : i32
    %multiple_of3A = tpu.assume_multiple %mul3A_3, 8 : i32
    "tpu.region"() ({
      %run_scoped3A = tpu.sem_alloc : memref<!tpu.dma_semaphore, #tpu.memory_space<semaphore_mem>>
      %dma_start3A_218 = tpu.memref_slice %arg2[%multiple_of3A] : memref<15024xf32, #tpu.memory_space<hbm>> -> memref<7506xf32, #tpu.memory_space<hbm>>
      %dma_start3A_219 = tpu.memref_slice %arg2[%multiple_of3A] : memref<15024xf32, #tpu.memory_space<hbm>> -> memref<7506xf32, #tpu.memory_space<hbm>>
      tpu.enqueue_dma source(%dma_start3A_219 : memref<7506xf32, #tpu.memory_space<hbm>>) target(%arg5 : memref<7506xf32, #tpu.memory_space<vmem>>) target_semaphore(%run_scoped3A : memref<!tpu.dma_semaphore, #tpu.memory_space<semaphore_mem>>)
      %dma_wait3A_220 = tpu.memref_slice %arg2[%multiple_of3A] : memref<15024xf32, #tpu.memory_space<hbm>> -> memref<7506xf32, #tpu.memory_space<hbm>>
      %dma_wait3A_221 = tpu.memref_slice %arg2[%multiple_of3A] : memref<15024xf32, #tpu.memory_space<hbm>> -> memref<7506xf32, #tpu.memory_space<hbm>>
      tpu.wait_dma2 semaphore(%run_scoped3A : memref<!tpu.dma_semaphore, #tpu.memory_space<semaphore_mem>>) src(%dma_wait3A_221 : memref<7506xf32, #tpu.memory_space<hbm>>) dst(%arg5 : memref<7506xf32, #tpu.memory_space<vmem>>)
      tpu.yield
    }) : () -> ()
    %mul3A_4 = arith.constant 3 : i32
    %mul3A_5 = arith.muli %min3A_1, %mul3A_4 : i32
    %multiple_of3A_6 = tpu.assume_multiple %mul3A_5, 8 : i32
    "tpu.region"() ({
      %run_scoped3A = tpu.sem_alloc : memref<!tpu.dma_semaphore, #tpu.memory_space<semaphore_mem>>
      %dma_start3A_218 = tpu.memref_slice %arg3[%multiple_of3A_6] : memref<15000xi32, #tpu.memory_space<hbm>> -> memref<960xi32, #tpu.memory_space<hbm>>
      %dma_start3A_219 = tpu.memref_slice %arg3[%multiple_of3A_6] : memref<15000xi32, #tpu.memory_space<hbm>> -> memref<960xi32, #tpu.memory_space<hbm>>
      tpu.enqueue_dma source(%dma_start3A_219 : memref<960xi32, #tpu.memory_space<hbm>>) target(%arg6 : memref<960xi32, #tpu.memory_space<vmem>>) target_semaphore(%run_scoped3A : memref<!tpu.dma_semaphore, #tpu.memory_space<semaphore_mem>>)
      %dma_wait3A_220 = tpu.memref_slice %arg3[%multiple_of3A_6] : memref<15000xi32, #tpu.memory_space<hbm>> -> memref<960xi32, #tpu.memory_space<hbm>>
      %dma_wait3A_221 = tpu.memref_slice %arg3[%multiple_of3A_6] : memref<15000xi32, #tpu.memory_space<hbm>> -> memref<960xi32, #tpu.memory_space<hbm>>
      tpu.wait_dma2 semaphore(%run_scoped3A : memref<!tpu.dma_semaphore, #tpu.memory_space<semaphore_mem>>) src(%dma_wait3A_221 : memref<960xi32, #tpu.memory_space<hbm>>) dst(%arg6 : memref<960xi32, #tpu.memory_space<vmem>>)
      tpu.yield
    }) : () -> ()
    %iota3A = tpu.iota {dimensions = array<i32: 0>} : vector<16xi32>
    %mul3A_7 = arith.constant 9 : i32
    %mul3A_8 = arith.muli %arg0, %mul3A_7 : i32
    %scan3A = arith.constant 0 : i32
    %scan3A_9 = arith.constant 0 : i32
    %scan3A_10 = arith.constant 20 : i32
    %scan3A_11 = arith.addi %scan3A_9, %scan3A_10 : i32
    %scan3A_12 = arith.constant 1 : i32
    scf.for %scan3A_218 = %scan3A_9 to %scan3A_11 step %scan3A_12  : i32 {
      %mul3A_219 = arith.constant 16 : i32
      %mul3A_220 = arith.muli %scan3A_218, %mul3A_219 : i32
      %multiple_of3A_221 = tpu.assume_multiple %mul3A_220, 16 : i32
      %add3A_222 = vector.broadcast %multiple_of3A_221 : i32 to vector<16xi32>
      %add3A_223 = arith.addi %iota3A, %add3A_222 : vector<16xi32>
      %mul3A_224 = arith.constant 3 : i32
      %mul3A_225 = vector.broadcast %mul3A_224 : i32 to vector<16xi32>
      %mul3A_226 = arith.muli %add3A_223, %mul3A_225 : vector<16xi32>
      %add3A_227 = arith.constant 0 : i32
      %add3A_228 = vector.broadcast %add3A_227 : i32 to vector<16xi32>
      %add3A_229 = arith.addi %mul3A_226, %add3A_228 : vector<16xi32>
      %gather3A = tpu.vector_load_idx %arg6[%add3A_229] : memref<960xi32, #tpu.memory_space<vmem>>[vector<16xi32>], vector<16xi32>,
      %bitcast3A = vector.bitcast %gather3A : vector<16xi32> to vector<16xf32>
      %add3A_230 = arith.constant 2880 : i32
      %add3A_231 = arith.addi %add3A_230, %multiple_of3A_221 : i32
      %swap3A = arith.index_cast %add3A_231 : i32 to index
      %swap3A_232 = tpu.vector_load %arg7[%swap3A] {strides = array<i32>} : memref<3840xf32, #tpu.memory_space<vmem>>, vector<16xf32>,
      tpu.vector_store %arg7[%swap3A], %bitcast3A {strides = array<i32>} : memref<3840xf32, #tpu.memory_space<vmem>>, vector<16xf32>,
      %mul3A_233 = arith.constant 3 : i32
      %mul3A_234 = vector.broadcast %mul3A_233 : i32 to vector<16xi32>
      %mul3A_235 = arith.muli %gather3A, %mul3A_234 : vector<16xi32>
      %add3A_236 = arith.constant 0 : i32
      %add3A_237 = vector.broadcast %add3A_236 : i32 to vector<16xi32>
      %add3A_238 = arith.addi %mul3A_235, %add3A_237 : vector<16xi32>
      %gather3A_239 = tpu.vector_load_idx %arg5[%add3A_238] : memref<7506xf32, #tpu.memory_space<vmem>>[vector<16xi32>], vector<16xf32>,
      %add3A_240 = arith.constant 0 : i32
      %add3A_241 = arith.addi %add3A_240, %multiple_of3A_221 : i32
      %swap3A_242 = arith.index_cast %add3A_241 : i32 to index
      %swap3A_243 = tpu.vector_load %arg7[%swap3A_242] {strides = array<i32>} : memref<3840xf32, #tpu.memory_space<vmem>>, vector<16xf32>,
      tpu.vector_store %arg7[%swap3A_242], %gather3A_239 {strides = array<i32>} : memref<3840xf32, #tpu.memory_space<vmem>>, vector<16xf32>,
      %add3A_244 = arith.constant 1 : i32
      %add3A_245 = vector.broadcast %add3A_244 : i32 to vector<16xi32>
      %add3A_246 = arith.addi %mul3A_235, %add3A_245 : vector<16xi32>
      %gather3A_247 = tpu.vector_load_idx %arg5[%add3A_246] : memref<7506xf32, #tpu.memory_space<vmem>>[vector<16xi32>], vector<16xf32>,
      %add3A_248 = arith.constant 320 : i32
      %add3A_249 = arith.addi %add3A_248, %multiple_of3A_221 : i32
      %swap3A_250 = arith.index_cast %add3A_249 : i32 to index
      %swap3A_251 = tpu.vector_load %arg7[%swap3A_250] {strides = array<i32>} : memref<3840xf32, #tpu.memory_space<vmem>>, vector<16xf32>,
      tpu.vector_store %arg7[%swap3A_250], %gather3A_247 {strides = array<i32>} : memref<3840xf32, #tpu.memory_space<vmem>>, vector<16xf32>,
      %add3A_252 = arith.constant 2 : i32
      %add3A_253 = vector.broadcast %add3A_252 : i32 to vector<16xi32>
      %add3A_254 = arith.addi %mul3A_235, %add3A_253 : vector<16xi32>
      %gather3A_255 = tpu.vector_load_idx %arg5[%add3A_254] : memref<7506xf32, #tpu.memory_space<vmem>>[vector<16xi32>], vector<16xf32>,
      %add3A_256 = arith.constant 640 : i32
      %add3A_257 = arith.addi %add3A_256, %multiple_of3A_221 : i32
      %swap3A_258 = arith.index_cast %add3A_257 : i32 to index
      %swap3A_259 = tpu.vector_load %arg7[%swap3A_258] {strides = array<i32>} : memref<3840xf32, #tpu.memory_space<vmem>>, vector<16xf32>,
      tpu.vector_store %arg7[%swap3A_258], %gather3A_255 {strides = array<i32>} : memref<3840xf32, #tpu.memory_space<vmem>>, vector<16xf32>,
      %add3A_260 = vector.broadcast %multiple_of3A_221 : i32 to vector<16xi32>
      %add3A_261 = arith.addi %iota3A, %add3A_260 : vector<16xi32>
      %mul3A_262 = arith.constant 3 : i32
      %mul3A_263 = vector.broadcast %mul3A_262 : i32 to vector<16xi32>
      %mul3A_264 = arith.muli %add3A_261, %mul3A_263 : vector<16xi32>
      %add3A_265 = arith.constant 1 : i32
      %add3A_266 = vector.broadcast %add3A_265 : i32 to vector<16xi32>
      %add3A_267 = arith.addi %mul3A_264, %add3A_266 : vector<16xi32>
      %gather3A_268 = tpu.vector_load_idx %arg6[%add3A_267] : memref<960xi32, #tpu.memory_space<vmem>>[vector<16xi32>], vector<16xi32>,
      %bitcast3A_269 = vector.bitcast %gather3A_268 : vector<16xi32> to vector<16xf32>
      %add3A_270 = arith.constant 3200 : i32
      %add3A_271 = arith.addi %add3A_270, %multiple_of3A_221 : i32
      %swap3A_272 = arith.index_cast %add3A_271 : i32 to index
      %swap3A_273 = tpu.vector_load %arg7[%swap3A_272] {strides = array<i32>} : memref<3840xf32, #tpu.memory_space<vmem>>, vector<16xf32>,
      tpu.vector_store %arg7[%swap3A_272], %bitcast3A_269 {strides = array<i32>} : memref<3840xf32, #tpu.memory_space<vmem>>, vector<16xf32>,
      %mul3A_274 = arith.constant 3 : i32
      %mul3A_275 = vector.broadcast %mul3A_274 : i32 to vector<16xi32>
      %mul3A_276 = arith.muli %gather3A_268, %mul3A_275 : vector<16xi32>
      %add3A_277 = arith.constant 0 : i32
      %add3A_278 = vector.broadcast %add3A_277 : i32 to vector<16xi32>
      %add3A_279 = arith.addi %mul3A_276, %add3A_278 : vector<16xi32>
      %gather3A_280 = tpu.vector_load_idx %arg5[%add3A_279] : memref<7506xf32, #tpu.memory_space<vmem>>[vector<16xi32>], vector<16xf32>,
      %add3A_281 = arith.constant 960 : i32
      %add3A_282 = arith.addi %add3A_281, %multiple_of3A_221 : i32
      %swap3A_283 = arith.index_cast %add3A_282 : i32 to index
      %swap3A_284 = tpu.vector_load %arg7[%swap3A_283] {strides = array<i32>} : memref<3840xf32, #tpu.memory_space<vmem>>, vector<16xf32>,
      tpu.vector_store %arg7[%swap3A_283], %gather3A_280 {strides = array<i32>} : memref<3840xf32, #tpu.memory_space<vmem>>, vector<16xf32>,
      %add3A_285 = arith.constant 1 : i32
      %add3A_286 = vector.broadcast %add3A_285 : i32 to vector<16xi32>
      %add3A_287 = arith.addi %mul3A_276, %add3A_286 : vector<16xi32>
      %gather3A_288 = tpu.vector_load_idx %arg5[%add3A_287] : memref<7506xf32, #tpu.memory_space<vmem>>[vector<16xi32>], vector<16xf32>,
      %add3A_289 = arith.constant 1280 : i32
      %add3A_290 = arith.addi %add3A_289, %multiple_of3A_221 : i32
      %swap3A_291 = arith.index_cast %add3A_290 : i32 to index
      %swap3A_292 = tpu.vector_load %arg7[%swap3A_291] {strides = array<i32>} : memref<3840xf32, #tpu.memory_space<vmem>>, vector<16xf32>,
      tpu.vector_store %arg7[%swap3A_291], %gather3A_288 {strides = array<i32>} : memref<3840xf32, #tpu.memory_space<vmem>>, vector<16xf32>,
      %add3A_293 = arith.constant 2 : i32
      %add3A_294 = vector.broadcast %add3A_293 : i32 to vector<16xi32>
      %add3A_295 = arith.addi %mul3A_276, %add3A_294 : vector<16xi32>
      %gather3A_296 = tpu.vector_load_idx %arg5[%add3A_295] : memref<7506xf32, #tpu.memory_space<vmem>>[vector<16xi32>], vector<16xf32>,
      %add3A_297 = arith.constant 1600 : i32
      %add3A_298 = arith.addi %add3A_297, %multiple_of3A_221 : i32
      %swap3A_299 = arith.index_cast %add3A_298 : i32 to index
      %swap3A_300 = tpu.vector_load %arg7[%swap3A_299] {strides = array<i32>} : memref<3840xf32, #tpu.memory_space<vmem>>, vector<16xf32>,
      tpu.vector_store %arg7[%swap3A_299], %gather3A_296 {strides = array<i32>} : memref<3840xf32, #tpu.memory_space<vmem>>, vector<16xf32>,
      %add3A_301 = vector.broadcast %multiple_of3A_221 : i32 to vector<16xi32>
      %add3A_302 = arith.addi %iota3A, %add3A_301 : vector<16xi32>
      %mul3A_303 = arith.constant 3 : i32
      %mul3A_304 = vector.broadcast %mul3A_303 : i32 to vector<16xi32>
      %mul3A_305 = arith.muli %add3A_302, %mul3A_304 : vector<16xi32>
      %add3A_306 = arith.constant 2 : i32
      %add3A_307 = vector.broadcast %add3A_306 : i32 to vector<16xi32>
      %add3A_308 = arith.addi %mul3A_305, %add3A_307 : vector<16xi32>
      %gather3A_309 = tpu.vector_load_idx %arg6[%add3A_308] : memref<960xi32, #tpu.memory_space<vmem>>[vector<16xi32>], vector<16xi32>,
      %bitcast3A_310 = vector.bitcast %gather3A_309 : vector<16xi32> to vector<16xf32>
      %add3A_311 = arith.constant 3520 : i32
      %add3A_312 = arith.addi %add3A_311, %multiple_of3A_221 : i32
      %swap3A_313 = arith.index_cast %add3A_312 : i32 to index
      %swap3A_314 = tpu.vector_load %arg7[%swap3A_313] {strides = array<i32>} : memref<3840xf32, #tpu.memory_space<vmem>>, vector<16xf32>,
      tpu.vector_store %arg7[%swap3A_313], %bitcast3A_310 {strides = array<i32>} : memref<3840xf32, #tpu.memory_space<vmem>>, vector<16xf32>,
      %mul3A_315 = arith.constant 3 : i32
      %mul3A_316 = vector.broadcast %mul3A_315 : i32 to vector<16xi32>
      %mul3A_317 = arith.muli %gather3A_309, %mul3A_316 : vector<16xi32>
      %add3A_318 = arith.constant 0 : i32
      %add3A_319 = vector.broadcast %add3A_318 : i32 to vector<16xi32>
      %add3A_320 = arith.addi %mul3A_317, %add3A_319 : vector<16xi32>
      %gather3A_321 = tpu.vector_load_idx %arg5[%add3A_320] : memref<7506xf32, #tpu.memory_space<vmem>>[vector<16xi32>], vector<16xf32>,
      %add3A_322 = arith.constant 1920 : i32
      %add3A_323 = arith.addi %add3A_322, %multiple_of3A_221 : i32
      %swap3A_324 = arith.index_cast %add3A_323 : i32 to index
      %swap3A_325 = tpu.vector_load %arg7[%swap3A_324] {strides = array<i32>} : memref<3840xf32, #tpu.memory_space<vmem>>, vector<16xf32>,
      tpu.vector_store %arg7[%swap3A_324], %gather3A_321 {strides = array<i32>} : memref<3840xf32, #tpu.memory_space<vmem>>, vector<16xf32>,
      %add3A_326 = arith.constant 1 : i32
      %add3A_327 = vector.broadcast %add3A_326 : i32 to vector<16xi32>
      %add3A_328 = arith.addi %mul3A_317, %add3A_327 : vector<16xi32>
      %gather3A_329 = tpu.vector_load_idx %arg5[%add3A_328] : memref<7506xf32, #tpu.memory_space<vmem>>[vector<16xi32>], vector<16xf32>,
      %add3A_330 = arith.constant 2240 : i32
      %add3A_331 = arith.addi %add3A_330, %multiple_of3A_221 : i32
      %swap3A_332 = arith.index_cast %add3A_331 : i32 to index
      %swap3A_333 = tpu.vector_load %arg7[%swap3A_332] {strides = array<i32>} : memref<3840xf32, #tpu.memory_space<vmem>>, vector<16xf32>,
      tpu.vector_store %arg7[%swap3A_332], %gather3A_329 {strides = array<i32>} : memref<3840xf32, #tpu.memory_space<vmem>>, vector<16xf32>,
      %add3A_334 = arith.constant 2 : i32
      %add3A_335 = vector.broadcast %add3A_334 : i32 to vector<16xi32>
      %add3A_336 = arith.addi %mul3A_317, %add3A_335 : vector<16xi32>
      %gather3A_337 = tpu.vector_load_idx %arg5[%add3A_336] : memref<7506xf32, #tpu.memory_space<vmem>>[vector<16xi32>], vector<16xf32>,
      %add3A_338 = arith.constant 2560 : i32
      %add3A_339 = arith.addi %add3A_338, %multiple_of3A_221 : i32
      %swap3A_340 = arith.index_cast %add3A_339 : i32 to index
      %swap3A_341 = tpu.vector_load %arg7[%swap3A_340] {strides = array<i32>} : memref<3840xf32, #tpu.memory_space<vmem>>, vector<16xf32>,
      tpu.vector_store %arg7[%swap3A_340], %gather3A_337 {strides = array<i32>} : memref<3840xf32, #tpu.memory_space<vmem>>, vector<16xf32>,
    }
    %scan3A_13 = arith.constant 20 : i32
    %add3A = arith.constant 0 : i32
    %add3A_14 = arith.addi %mul3A_8, %add3A : i32
    %mul3A_15 = arith.constant 5120 : i32
    %mul3A_16 = arith.muli %add3A_14, %mul3A_15 : i32
    %add3A_17 = arith.addi %mul3A_16, %min3A_1 : i32
    %multiple_of3A_18 = tpu.assume_multiple %add3A_17, 8 : i32
    %dma_start3A = arith.constant 0 : i32
    %dma_start3A_19 = tpu.memref_slice %arg7[%dma_start3A] : memref<3840xf32, #tpu.memory_space<vmem>> -> memref<320xf32, #tpu.memory_space<vmem>>
    %dma_start3A_20 = tpu.memref_slice %arg4[%multiple_of3A_18] : memref<107520xf32, #tpu.memory_space<hbm>> -> memref<320xf32, #tpu.memory_space<hbm>>
    %dma_start3A_21 = tpu.memref_slice %arg4[%multiple_of3A_18] : memref<107520xf32, #tpu.memory_space<hbm>> -> memref<320xf32, #tpu.memory_space<hbm>>
    %dma_start3A_22 = arith.constant 0 : i32
    %dma_start3A_23 = tpu.memref_slice %arg7[%dma_start3A_22] : memref<3840xf32, #tpu.memory_space<vmem>> -> memref<320xf32, #tpu.memory_space<vmem>>
    tpu.enqueue_dma source(%dma_start3A_23 : memref<320xf32, #tpu.memory_space<vmem>>) target(%dma_start3A_21 : memref<320xf32, #tpu.memory_space<hbm>>) target_semaphore(%arg8 : memref<!tpu.dma_semaphore, #tpu.memory_space<semaphore_mem>>)
    %add3A_24 = arith.constant 1 : i32
    %add3A_25 = arith.addi %mul3A_8, %add3A_24 : i32
    %mul3A_26 = arith.constant 5120 : i32
    %mul3A_27 = arith.muli %add3A_25, %mul3A_26 : i32
    %add3A_28 = arith.addi %mul3A_27, %min3A_1 : i32
    %multiple_of3A_29 = tpu.assume_multiple %add3A_28, 8 : i32
    %dma_start3A_30 = arith.constant 320 : i32
    %dma_start3A_31 = tpu.memref_slice %arg7[%dma_start3A_30] : memref<3840xf32, #tpu.memory_space<vmem>> -> memref<320xf32, #tpu.memory_space<vmem>>
    %dma_start3A_32 = tpu.memref_slice %arg4[%multiple_of3A_29] : memref<107520xf32, #tpu.memory_space<hbm>> -> memref<320xf32, #tpu.memory_space<hbm>>
    %dma_start3A_33 = tpu.memref_slice %arg4[%multiple_of3A_29] : memref<107520xf32, #tpu.memory_space<hbm>> -> memref<320xf32, #tpu.memory_space<hbm>>
    %dma_start3A_34 = arith.constant 320 : i32
    %dma_start3A_35 = tpu.memref_slice %arg7[%dma_start3A_34] : memref<3840xf32, #tpu.memory_space<vmem>> -> memref<320xf32, #tpu.memory_space<vmem>>
    tpu.enqueue_dma source(%dma_start3A_35 : memref<320xf32, #tpu.memory_space<vmem>>) target(%dma_start3A_33 : memref<320xf32, #tpu.memory_space<hbm>>) target_semaphore(%arg8 : memref<!tpu.dma_semaphore, #tpu.memory_space<semaphore_mem>>)
    %add3A_36 = arith.constant 2 : i32
    %add3A_37 = arith.addi %mul3A_8, %add3A_36 : i32
    %mul3A_38 = arith.constant 5120 : i32
    %mul3A_39 = arith.muli %add3A_37, %mul3A_38 : i32
    %add3A_40 = arith.addi %mul3A_39, %min3A_1 : i32
    %multiple_of3A_41 = tpu.assume_multiple %add3A_40, 8 : i32
    %dma_start3A_42 = arith.constant 640 : i32
    %dma_start3A_43 = tpu.memref_slice %arg7[%dma_start3A_42] : memref<3840xf32, #tpu.memory_space<vmem>> -> memref<320xf32, #tpu.memory_space<vmem>>
    %dma_start3A_44 = tpu.memref_slice %arg4[%multiple_of3A_41] : memref<107520xf32, #tpu.memory_space<hbm>> -> memref<320xf32, #tpu.memory_space<hbm>>
    %dma_start3A_45 = tpu.memref_slice %arg4[%multiple_of3A_41] : memref<107520xf32, #tpu.memory_space<hbm>> -> memref<320xf32, #tpu.memory_space<hbm>>
    %dma_start3A_46 = arith.constant 640 : i32
    %dma_start3A_47 = tpu.memref_slice %arg7[%dma_start3A_46] : memref<3840xf32, #tpu.memory_space<vmem>> -> memref<320xf32, #tpu.memory_space<vmem>>
    tpu.enqueue_dma source(%dma_start3A_47 : memref<320xf32, #tpu.memory_space<vmem>>) target(%dma_start3A_45 : memref<320xf32, #tpu.memory_space<hbm>>) target_semaphore(%arg8 : memref<!tpu.dma_semaphore, #tpu.memory_space<semaphore_mem>>)
    %add3A_48 = arith.constant 3 : i32
    %add3A_49 = arith.addi %mul3A_8, %add3A_48 : i32
    %mul3A_50 = arith.constant 5120 : i32
    %mul3A_51 = arith.muli %add3A_49, %mul3A_50 : i32
    %add3A_52 = arith.addi %mul3A_51, %min3A_1 : i32
    %multiple_of3A_53 = tpu.assume_multiple %add3A_52, 8 : i32
    %dma_start3A_54 = arith.constant 960 : i32
    %dma_start3A_55 = tpu.memref_slice %arg7[%dma_start3A_54] : memref<3840xf32, #tpu.memory_space<vmem>> -> memref<320xf32, #tpu.memory_space<vmem>>
    %dma_start3A_56 = tpu.memref_slice %arg4[%multiple_of3A_53] : memref<107520xf32, #tpu.memory_space<hbm>> -> memref<320xf32, #tpu.memory_space<hbm>>
    %dma_start3A_57 = tpu.memref_slice %arg4[%multiple_of3A_53] : memref<107520xf32, #tpu.memory_space<hbm>> -> memref<320xf32, #tpu.memory_space<hbm>>
    %dma_start3A_58 = arith.constant 960 : i32
    %dma_start3A_59 = tpu.memref_slice %arg7[%dma_start3A_58] : memref<3840xf32, #tpu.memory_space<vmem>> -> memref<320xf32, #tpu.memory_space<vmem>>
    tpu.enqueue_dma source(%dma_start3A_59 : memref<320xf32, #tpu.memory_space<vmem>>) target(%dma_start3A_57 : memref<320xf32, #tpu.memory_space<hbm>>) target_semaphore(%arg8 : memref<!tpu.dma_semaphore, #tpu.memory_space<semaphore_mem>>)
    %add3A_60 = arith.constant 4 : i32
    %add3A_61 = arith.addi %mul3A_8, %add3A_60 : i32
    %mul3A_62 = arith.constant 5120 : i32
    %mul3A_63 = arith.muli %add3A_61, %mul3A_62 : i32
    %add3A_64 = arith.addi %mul3A_63, %min3A_1 : i32
    %multiple_of3A_65 = tpu.assume_multiple %add3A_64, 8 : i32
    %dma_start3A_66 = arith.constant 1280 : i32
    %dma_start3A_67 = tpu.memref_slice %arg7[%dma_start3A_66] : memref<3840xf32, #tpu.memory_space<vmem>> -> memref<320xf32, #tpu.memory_space<vmem>>
    %dma_start3A_68 = tpu.memref_slice %arg4[%multiple_of3A_65] : memref<107520xf32, #tpu.memory_space<hbm>> -> memref<320xf32, #tpu.memory_space<hbm>>
    %dma_start3A_69 = tpu.memref_slice %arg4[%multiple_of3A_65] : memref<107520xf32, #tpu.memory_space<hbm>> -> memref<320xf32, #tpu.memory_space<hbm>>
    %dma_start3A_70 = arith.constant 1280 : i32
    %dma_start3A_71 = tpu.memref_slice %arg7[%dma_start3A_70] : memref<3840xf32, #tpu.memory_space<vmem>> -> memref<320xf32, #tpu.memory_space<vmem>>
    tpu.enqueue_dma source(%dma_start3A_71 : memref<320xf32, #tpu.memory_space<vmem>>) target(%dma_start3A_69 : memref<320xf32, #tpu.memory_space<hbm>>) target_semaphore(%arg8 : memref<!tpu.dma_semaphore, #tpu.memory_space<semaphore_mem>>)
    %add3A_72 = arith.constant 5 : i32
    %add3A_73 = arith.addi %mul3A_8, %add3A_72 : i32
    %mul3A_74 = arith.constant 5120 : i32
    %mul3A_75 = arith.muli %add3A_73, %mul3A_74 : i32
    %add3A_76 = arith.addi %mul3A_75, %min3A_1 : i32
    %multiple_of3A_77 = tpu.assume_multiple %add3A_76, 8 : i32
    %dma_start3A_78 = arith.constant 1600 : i32
    %dma_start3A_79 = tpu.memref_slice %arg7[%dma_start3A_78] : memref<3840xf32, #tpu.memory_space<vmem>> -> memref<320xf32, #tpu.memory_space<vmem>>
    %dma_start3A_80 = tpu.memref_slice %arg4[%multiple_of3A_77] : memref<107520xf32, #tpu.memory_space<hbm>> -> memref<320xf32, #tpu.memory_space<hbm>>
    %dma_start3A_81 = tpu.memref_slice %arg4[%multiple_of3A_77] : memref<107520xf32, #tpu.memory_space<hbm>> -> memref<320xf32, #tpu.memory_space<hbm>>
    %dma_start3A_82 = arith.constant 1600 : i32
    %dma_start3A_83 = tpu.memref_slice %arg7[%dma_start3A_82] : memref<3840xf32, #tpu.memory_space<vmem>> -> memref<320xf32, #tpu.memory_space<vmem>>
    tpu.enqueue_dma source(%dma_start3A_83 : memref<320xf32, #tpu.memory_space<vmem>>) target(%dma_start3A_81 : memref<320xf32, #tpu.memory_space<hbm>>) target_semaphore(%arg8 : memref<!tpu.dma_semaphore, #tpu.memory_space<semaphore_mem>>)
    %add3A_84 = arith.constant 6 : i32
    %add3A_85 = arith.addi %mul3A_8, %add3A_84 : i32
    %mul3A_86 = arith.constant 5120 : i32
    %mul3A_87 = arith.muli %add3A_85, %mul3A_86 : i32
    %add3A_88 = arith.addi %mul3A_87, %min3A_1 : i32
    %multiple_of3A_89 = tpu.assume_multiple %add3A_88, 8 : i32
    %dma_start3A_90 = arith.constant 1920 : i32
    %dma_start3A_91 = tpu.memref_slice %arg7[%dma_start3A_90] : memref<3840xf32, #tpu.memory_space<vmem>> -> memref<320xf32, #tpu.memory_space<vmem>>
    %dma_start3A_92 = tpu.memref_slice %arg4[%multiple_of3A_89] : memref<107520xf32, #tpu.memory_space<hbm>> -> memref<320xf32, #tpu.memory_space<hbm>>
    %dma_start3A_93 = tpu.memref_slice %arg4[%multiple_of3A_89] : memref<107520xf32, #tpu.memory_space<hbm>> -> memref<320xf32, #tpu.memory_space<hbm>>
    %dma_start3A_94 = arith.constant 1920 : i32
    %dma_start3A_95 = tpu.memref_slice %arg7[%dma_start3A_94] : memref<3840xf32, #tpu.memory_space<vmem>> -> memref<320xf32, #tpu.memory_space<vmem>>
    tpu.enqueue_dma source(%dma_start3A_95 : memref<320xf32, #tpu.memory_space<vmem>>) target(%dma_start3A_93 : memref<320xf32, #tpu.memory_space<hbm>>) target_semaphore(%arg8 : memref<!tpu.dma_semaphore, #tpu.memory_space<semaphore_mem>>)
    %add3A_96 = arith.constant 7 : i32
    %add3A_97 = arith.addi %mul3A_8, %add3A_96 : i32
    %mul3A_98 = arith.constant 5120 : i32
    %mul3A_99 = arith.muli %add3A_97, %mul3A_98 : i32
    %add3A_100 = arith.addi %mul3A_99, %min3A_1 : i32
    %multiple_of3A_101 = tpu.assume_multiple %add3A_100, 8 : i32
    %dma_start3A_102 = arith.constant 2240 : i32
    %dma_start3A_103 = tpu.memref_slice %arg7[%dma_start3A_102] : memref<3840xf32, #tpu.memory_space<vmem>> -> memref<320xf32, #tpu.memory_space<vmem>>
    %dma_start3A_104 = tpu.memref_slice %arg4[%multiple_of3A_101] : memref<107520xf32, #tpu.memory_space<hbm>> -> memref<320xf32, #tpu.memory_space<hbm>>
    %dma_start3A_105 = tpu.memref_slice %arg4[%multiple_of3A_101] : memref<107520xf32, #tpu.memory_space<hbm>> -> memref<320xf32, #tpu.memory_space<hbm>>
    %dma_start3A_106 = arith.constant 2240 : i32
    %dma_start3A_107 = tpu.memref_slice %arg7[%dma_start3A_106] : memref<3840xf32, #tpu.memory_space<vmem>> -> memref<320xf32, #tpu.memory_space<vmem>>
    tpu.enqueue_dma source(%dma_start3A_107 : memref<320xf32, #tpu.memory_space<vmem>>) target(%dma_start3A_105 : memref<320xf32, #tpu.memory_space<hbm>>) target_semaphore(%arg8 : memref<!tpu.dma_semaphore, #tpu.memory_space<semaphore_mem>>)
    %add3A_108 = arith.constant 8 : i32
    %add3A_109 = arith.addi %mul3A_8, %add3A_108 : i32
    %mul3A_110 = arith.constant 5120 : i32
    %mul3A_111 = arith.muli %add3A_109, %mul3A_110 : i32
    %add3A_112 = arith.addi %mul3A_111, %min3A_1 : i32
    %multiple_of3A_113 = tpu.assume_multiple %add3A_112, 8 : i32
    %dma_start3A_114 = arith.constant 2560 : i32
    %dma_start3A_115 = tpu.memref_slice %arg7[%dma_start3A_114] : memref<3840xf32, #tpu.memory_space<vmem>> -> memref<320xf32, #tpu.memory_space<vmem>>
    %dma_start3A_116 = tpu.memref_slice %arg4[%multiple_of3A_113] : memref<107520xf32, #tpu.memory_space<hbm>> -> memref<320xf32, #tpu.memory_space<hbm>>
    %dma_start3A_117 = tpu.memref_slice %arg4[%multiple_of3A_113] : memref<107520xf32, #tpu.memory_space<hbm>> -> memref<320xf32, #tpu.memory_space<hbm>>
    %dma_start3A_118 = arith.constant 2560 : i32
    %dma_start3A_119 = tpu.memref_slice %arg7[%dma_start3A_118] : memref<3840xf32, #tpu.memory_space<vmem>> -> memref<320xf32, #tpu.memory_space<vmem>>
    tpu.enqueue_dma source(%dma_start3A_119 : memref<320xf32, #tpu.memory_space<vmem>>) target(%dma_start3A_117 : memref<320xf32, #tpu.memory_space<hbm>>) target_semaphore(%arg8 : memref<!tpu.dma_semaphore, #tpu.memory_space<semaphore_mem>>)
    %add3A_120 = arith.constant 92160 : i32
    %add3A_121 = arith.addi %add3A_120, %min3A_1 : i32
    %multiple_of3A_122 = tpu.assume_multiple %add3A_121, 8 : i32
    %dma_start3A_123 = arith.constant 2880 : i32
    %dma_start3A_124 = tpu.memref_slice %arg7[%dma_start3A_123] : memref<3840xf32, #tpu.memory_space<vmem>> -> memref<320xf32, #tpu.memory_space<vmem>>
    %dma_start3A_125 = tpu.memref_slice %arg4[%multiple_of3A_122] : memref<107520xf32, #tpu.memory_space<hbm>> -> memref<320xf32, #tpu.memory_space<hbm>>
    %dma_start3A_126 = tpu.memref_slice %arg4[%multiple_of3A_122] : memref<107520xf32, #tpu.memory_space<hbm>> -> memref<320xf32, #tpu.memory_space<hbm>>
    %dma_start3A_127 = arith.constant 2880 : i32
    %dma_start3A_128 = tpu.memref_slice %arg7[%dma_start3A_127] : memref<3840xf32, #tpu.memory_space<vmem>> -> memref<320xf32, #tpu.memory_space<vmem>>
    tpu.enqueue_dma source(%dma_start3A_128 : memref<320xf32, #tpu.memory_space<vmem>>) target(%dma_start3A_126 : memref<320xf32, #tpu.memory_space<hbm>>) target_semaphore(%arg8 : memref<!tpu.dma_semaphore, #tpu.memory_space<semaphore_mem>>)
    %add3A_129 = arith.constant 97280 : i32
    %add3A_130 = arith.addi %add3A_129, %min3A_1 : i32
    %multiple_of3A_131 = tpu.assume_multiple %add3A_130, 8 : i32
    %dma_start3A_132 = arith.constant 3200 : i32
    %dma_start3A_133 = tpu.memref_slice %arg7[%dma_start3A_132] : memref<3840xf32, #tpu.memory_space<vmem>> -> memref<320xf32, #tpu.memory_space<vmem>>
    %dma_start3A_134 = tpu.memref_slice %arg4[%multiple_of3A_131] : memref<107520xf32, #tpu.memory_space<hbm>> -> memref<320xf32, #tpu.memory_space<hbm>>
    %dma_start3A_135 = tpu.memref_slice %arg4[%multiple_of3A_131] : memref<107520xf32, #tpu.memory_space<hbm>> -> memref<320xf32, #tpu.memory_space<hbm>>
    %dma_start3A_136 = arith.constant 3200 : i32
    %dma_start3A_137 = tpu.memref_slice %arg7[%dma_start3A_136] : memref<3840xf32, #tpu.memory_space<vmem>> -> memref<320xf32, #tpu.memory_space<vmem>>
    tpu.enqueue_dma source(%dma_start3A_137 : memref<320xf32, #tpu.memory_space<vmem>>) target(%dma_start3A_135 : memref<320xf32, #tpu.memory_space<hbm>>) target_semaphore(%arg8 : memref<!tpu.dma_semaphore, #tpu.memory_space<semaphore_mem>>)
    %add3A_138 = arith.constant 102400 : i32
    %add3A_139 = arith.addi %add3A_138, %min3A_1 : i32
    %multiple_of3A_140 = tpu.assume_multiple %add3A_139, 8 : i32
    %dma_start3A_141 = arith.constant 3520 : i32
    %dma_start3A_142 = tpu.memref_slice %arg7[%dma_start3A_141] : memref<3840xf32, #tpu.memory_space<vmem>> -> memref<320xf32, #tpu.memory_space<vmem>>
    %dma_start3A_143 = tpu.memref_slice %arg4[%multiple_of3A_140] : memref<107520xf32, #tpu.memory_space<hbm>> -> memref<320xf32, #tpu.memory_space<hbm>>
    %dma_start3A_144 = tpu.memref_slice %arg4[%multiple_of3A_140] : memref<107520xf32, #tpu.memory_space<hbm>> -> memref<320xf32, #tpu.memory_space<hbm>>
    %dma_start3A_145 = arith.constant 3520 : i32
    %dma_start3A_146 = tpu.memref_slice %arg7[%dma_start3A_145] : memref<3840xf32, #tpu.memory_space<vmem>> -> memref<320xf32, #tpu.memory_space<vmem>>
    tpu.enqueue_dma source(%dma_start3A_146 : memref<320xf32, #tpu.memory_space<vmem>>) target(%dma_start3A_144 : memref<320xf32, #tpu.memory_space<hbm>>) target_semaphore(%arg8 : memref<!tpu.dma_semaphore, #tpu.memory_space<semaphore_mem>>)
    %dma_wait3A = arith.constant 0 : i32
    %dma_wait3A_147 = tpu.memref_slice %arg7[%dma_wait3A] : memref<3840xf32, #tpu.memory_space<vmem>> -> memref<320xf32, #tpu.memory_space<vmem>>
    %dma_wait3A_148 = tpu.memref_slice %arg4[%multiple_of3A_18] : memref<107520xf32, #tpu.memory_space<hbm>> -> memref<320xf32, #tpu.memory_space<hbm>>
    %dma_wait3A_149 = tpu.memref_slice %arg4[%multiple_of3A_18] : memref<107520xf32, #tpu.memory_space<hbm>> -> memref<320xf32, #tpu.memory_space<hbm>>
    %dma_wait3A_150 = arith.constant 0 : i32
    %dma_wait3A_151 = tpu.memref_slice %arg7[%dma_wait3A_150] : memref<3840xf32, #tpu.memory_space<vmem>> -> memref<320xf32, #tpu.memory_space<vmem>>
    tpu.wait_dma2 semaphore(%arg8 : memref<!tpu.dma_semaphore, #tpu.memory_space<semaphore_mem>>) src(%dma_wait3A_151 : memref<320xf32, #tpu.memory_space<vmem>>) dst(%dma_wait3A_149 : memref<320xf32, #tpu.memory_space<hbm>>)
    %dma_wait3A_152 = arith.constant 320 : i32
    %dma_wait3A_153 = tpu.memref_slice %arg7[%dma_wait3A_152] : memref<3840xf32, #tpu.memory_space<vmem>> -> memref<320xf32, #tpu.memory_space<vmem>>
    %dma_wait3A_154 = tpu.memref_slice %arg4[%multiple_of3A_29] : memref<107520xf32, #tpu.memory_space<hbm>> -> memref<320xf32, #tpu.memory_space<hbm>>
    %dma_wait3A_155 = tpu.memref_slice %arg4[%multiple_of3A_29] : memref<107520xf32, #tpu.memory_space<hbm>> -> memref<320xf32, #tpu.memory_space<hbm>>
    %dma_wait3A_156 = arith.constant 320 : i32
    %dma_wait3A_157 = tpu.memref_slice %arg7[%dma_wait3A_156] : memref<3840xf32, #tpu.memory_space<vmem>> -> memref<320xf32, #tpu.memory_space<vmem>>
    tpu.wait_dma2 semaphore(%arg8 : memref<!tpu.dma_semaphore, #tpu.memory_space<semaphore_mem>>) src(%dma_wait3A_157 : memref<320xf32, #tpu.memory_space<vmem>>) dst(%dma_wait3A_155 : memref<320xf32, #tpu.memory_space<hbm>>)
    %dma_wait3A_158 = arith.constant 640 : i32
    %dma_wait3A_159 = tpu.memref_slice %arg7[%dma_wait3A_158] : memref<3840xf32, #tpu.memory_space<vmem>> -> memref<320xf32, #tpu.memory_space<vmem>>
    %dma_wait3A_160 = tpu.memref_slice %arg4[%multiple_of3A_41] : memref<107520xf32, #tpu.memory_space<hbm>> -> memref<320xf32, #tpu.memory_space<hbm>>
    %dma_wait3A_161 = tpu.memref_slice %arg4[%multiple_of3A_41] : memref<107520xf32, #tpu.memory_space<hbm>> -> memref<320xf32, #tpu.memory_space<hbm>>
    %dma_wait3A_162 = arith.constant 640 : i32
    %dma_wait3A_163 = tpu.memref_slice %arg7[%dma_wait3A_162] : memref<3840xf32, #tpu.memory_space<vmem>> -> memref<320xf32, #tpu.memory_space<vmem>>
    tpu.wait_dma2 semaphore(%arg8 : memref<!tpu.dma_semaphore, #tpu.memory_space<semaphore_mem>>) src(%dma_wait3A_163 : memref<320xf32, #tpu.memory_space<vmem>>) dst(%dma_wait3A_161 : memref<320xf32, #tpu.memory_space<hbm>>)
    %dma_wait3A_164 = arith.constant 960 : i32
    %dma_wait3A_165 = tpu.memref_slice %arg7[%dma_wait3A_164] : memref<3840xf32, #tpu.memory_space<vmem>> -> memref<320xf32, #tpu.memory_space<vmem>>
    %dma_wait3A_166 = tpu.memref_slice %arg4[%multiple_of3A_53] : memref<107520xf32, #tpu.memory_space<hbm>> -> memref<320xf32, #tpu.memory_space<hbm>>
    %dma_wait3A_167 = tpu.memref_slice %arg4[%multiple_of3A_53] : memref<107520xf32, #tpu.memory_space<hbm>> -> memref<320xf32, #tpu.memory_space<hbm>>
    %dma_wait3A_168 = arith.constant 960 : i32
    %dma_wait3A_169 = tpu.memref_slice %arg7[%dma_wait3A_168] : memref<3840xf32, #tpu.memory_space<vmem>> -> memref<320xf32, #tpu.memory_space<vmem>>
    tpu.wait_dma2 semaphore(%arg8 : memref<!tpu.dma_semaphore, #tpu.memory_space<semaphore_mem>>) src(%dma_wait3A_169 : memref<320xf32, #tpu.memory_space<vmem>>) dst(%dma_wait3A_167 : memref<320xf32, #tpu.memory_space<hbm>>)
    %dma_wait3A_170 = arith.constant 1280 : i32
    %dma_wait3A_171 = tpu.memref_slice %arg7[%dma_wait3A_170] : memref<3840xf32, #tpu.memory_space<vmem>> -> memref<320xf32, #tpu.memory_space<vmem>>
    %dma_wait3A_172 = tpu.memref_slice %arg4[%multiple_of3A_65] : memref<107520xf32, #tpu.memory_space<hbm>> -> memref<320xf32, #tpu.memory_space<hbm>>
    %dma_wait3A_173 = tpu.memref_slice %arg4[%multiple_of3A_65] : memref<107520xf32, #tpu.memory_space<hbm>> -> memref<320xf32, #tpu.memory_space<hbm>>
    %dma_wait3A_174 = arith.constant 1280 : i32
    %dma_wait3A_175 = tpu.memref_slice %arg7[%dma_wait3A_174] : memref<3840xf32, #tpu.memory_space<vmem>> -> memref<320xf32, #tpu.memory_space<vmem>>
    tpu.wait_dma2 semaphore(%arg8 : memref<!tpu.dma_semaphore, #tpu.memory_space<semaphore_mem>>) src(%dma_wait3A_175 : memref<320xf32, #tpu.memory_space<vmem>>) dst(%dma_wait3A_173 : memref<320xf32, #tpu.memory_space<hbm>>)
    %dma_wait3A_176 = arith.constant 1600 : i32
    %dma_wait3A_177 = tpu.memref_slice %arg7[%dma_wait3A_176] : memref<3840xf32, #tpu.memory_space<vmem>> -> memref<320xf32, #tpu.memory_space<vmem>>
    %dma_wait3A_178 = tpu.memref_slice %arg4[%multiple_of3A_77] : memref<107520xf32, #tpu.memory_space<hbm>> -> memref<320xf32, #tpu.memory_space<hbm>>
    %dma_wait3A_179 = tpu.memref_slice %arg4[%multiple_of3A_77] : memref<107520xf32, #tpu.memory_space<hbm>> -> memref<320xf32, #tpu.memory_space<hbm>>
    %dma_wait3A_180 = arith.constant 1600 : i32
    %dma_wait3A_181 = tpu.memref_slice %arg7[%dma_wait3A_180] : memref<3840xf32, #tpu.memory_space<vmem>> -> memref<320xf32, #tpu.memory_space<vmem>>
    tpu.wait_dma2 semaphore(%arg8 : memref<!tpu.dma_semaphore, #tpu.memory_space<semaphore_mem>>) src(%dma_wait3A_181 : memref<320xf32, #tpu.memory_space<vmem>>) dst(%dma_wait3A_179 : memref<320xf32, #tpu.memory_space<hbm>>)
    %dma_wait3A_182 = arith.constant 1920 : i32
    %dma_wait3A_183 = tpu.memref_slice %arg7[%dma_wait3A_182] : memref<3840xf32, #tpu.memory_space<vmem>> -> memref<320xf32, #tpu.memory_space<vmem>>
    %dma_wait3A_184 = tpu.memref_slice %arg4[%multiple_of3A_89] : memref<107520xf32, #tpu.memory_space<hbm>> -> memref<320xf32, #tpu.memory_space<hbm>>
    %dma_wait3A_185 = tpu.memref_slice %arg4[%multiple_of3A_89] : memref<107520xf32, #tpu.memory_space<hbm>> -> memref<320xf32, #tpu.memory_space<hbm>>
    %dma_wait3A_186 = arith.constant 1920 : i32
    %dma_wait3A_187 = tpu.memref_slice %arg7[%dma_wait3A_186] : memref<3840xf32, #tpu.memory_space<vmem>> -> memref<320xf32, #tpu.memory_space<vmem>>
    tpu.wait_dma2 semaphore(%arg8 : memref<!tpu.dma_semaphore, #tpu.memory_space<semaphore_mem>>) src(%dma_wait3A_187 : memref<320xf32, #tpu.memory_space<vmem>>) dst(%dma_wait3A_185 : memref<320xf32, #tpu.memory_space<hbm>>)
    %dma_wait3A_188 = arith.constant 2240 : i32
    %dma_wait3A_189 = tpu.memref_slice %arg7[%dma_wait3A_188] : memref<3840xf32, #tpu.memory_space<vmem>> -> memref<320xf32, #tpu.memory_space<vmem>>
    %dma_wait3A_190 = tpu.memref_slice %arg4[%multiple_of3A_101] : memref<107520xf32, #tpu.memory_space<hbm>> -> memref<320xf32, #tpu.memory_space<hbm>>
    %dma_wait3A_191 = tpu.memref_slice %arg4[%multiple_of3A_101] : memref<107520xf32, #tpu.memory_space<hbm>> -> memref<320xf32, #tpu.memory_space<hbm>>
    %dma_wait3A_192 = arith.constant 2240 : i32
    %dma_wait3A_193 = tpu.memref_slice %arg7[%dma_wait3A_192] : memref<3840xf32, #tpu.memory_space<vmem>> -> memref<320xf32, #tpu.memory_space<vmem>>
    tpu.wait_dma2 semaphore(%arg8 : memref<!tpu.dma_semaphore, #tpu.memory_space<semaphore_mem>>) src(%dma_wait3A_193 : memref<320xf32, #tpu.memory_space<vmem>>) dst(%dma_wait3A_191 : memref<320xf32, #tpu.memory_space<hbm>>)
    %dma_wait3A_194 = arith.constant 2560 : i32
    %dma_wait3A_195 = tpu.memref_slice %arg7[%dma_wait3A_194] : memref<3840xf32, #tpu.memory_space<vmem>> -> memref<320xf32, #tpu.memory_space<vmem>>
    %dma_wait3A_196 = tpu.memref_slice %arg4[%multiple_of3A_113] : memref<107520xf32, #tpu.memory_space<hbm>> -> memref<320xf32, #tpu.memory_space<hbm>>
    %dma_wait3A_197 = tpu.memref_slice %arg4[%multiple_of3A_113] : memref<107520xf32, #tpu.memory_space<hbm>> -> memref<320xf32, #tpu.memory_space<hbm>>
    %dma_wait3A_198 = arith.constant 2560 : i32
    %dma_wait3A_199 = tpu.memref_slice %arg7[%dma_wait3A_198] : memref<3840xf32, #tpu.memory_space<vmem>> -> memref<320xf32, #tpu.memory_space<vmem>>
    tpu.wait_dma2 semaphore(%arg8 : memref<!tpu.dma_semaphore, #tpu.memory_space<semaphore_mem>>) src(%dma_wait3A_199 : memref<320xf32, #tpu.memory_space<vmem>>) dst(%dma_wait3A_197 : memref<320xf32, #tpu.memory_space<hbm>>)
    %dma_wait3A_200 = arith.constant 2880 : i32
    %dma_wait3A_201 = tpu.memref_slice %arg7[%dma_wait3A_200] : memref<3840xf32, #tpu.memory_space<vmem>> -> memref<320xf32, #tpu.memory_space<vmem>>
    %dma_wait3A_202 = tpu.memref_slice %arg4[%multiple_of3A_122] : memref<107520xf32, #tpu.memory_space<hbm>> -> memref<320xf32, #tpu.memory_space<hbm>>
    %dma_wait3A_203 = tpu.memref_slice %arg4[%multiple_of3A_122] : memref<107520xf32, #tpu.memory_space<hbm>> -> memref<320xf32, #tpu.memory_space<hbm>>
    %dma_wait3A_204 = arith.constant 2880 : i32
    %dma_wait3A_205 = tpu.memref_slice %arg7[%dma_wait3A_204] : memref<3840xf32, #tpu.memory_space<vmem>> -> memref<320xf32, #tpu.memory_space<vmem>>
    tpu.wait_dma2 semaphore(%arg8 : memref<!tpu.dma_semaphore, #tpu.memory_space<semaphore_mem>>) src(%dma_wait3A_205 : memref<320xf32, #tpu.memory_space<vmem>>) dst(%dma_wait3A_203 : memref<320xf32, #tpu.memory_space<hbm>>)
    %dma_wait3A_206 = arith.constant 3200 : i32
    %dma_wait3A_207 = tpu.memref_slice %arg7[%dma_wait3A_206] : memref<3840xf32, #tpu.memory_space<vmem>> -> memref<320xf32, #tpu.memory_space<vmem>>
    %dma_wait3A_208 = tpu.memref_slice %arg4[%multiple_of3A_131] : memref<107520xf32, #tpu.memory_space<hbm>> -> memref<320xf32, #tpu.memory_space<hbm>>
    %dma_wait3A_209 = tpu.memref_slice %arg4[%multiple_of3A_131] : memref<107520xf32, #tpu.memory_space<hbm>> -> memref<320xf32, #tpu.memory_space<hbm>>
    %dma_wait3A_210 = arith.constant 3200 : i32
    %dma_wait3A_211 = tpu.memref_slice %arg7[%dma_wait3A_210] : memref<3840xf32, #tpu.memory_space<vmem>> -> memref<320xf32, #tpu.memory_space<vmem>>
    tpu.wait_dma2 semaphore(%arg8 : memref<!tpu.dma_semaphore, #tpu.memory_space<semaphore_mem>>) src(%dma_wait3A_211 : memref<320xf32, #tpu.memory_space<vmem>>) dst(%dma_wait3A_209 : memref<320xf32, #tpu.memory_space<hbm>>)
    %dma_wait3A_212 = arith.constant 3520 : i32
    %dma_wait3A_213 = tpu.memref_slice %arg7[%dma_wait3A_212] : memref<3840xf32, #tpu.memory_space<vmem>> -> memref<320xf32, #tpu.memory_space<vmem>>
    %dma_wait3A_214 = tpu.memref_slice %arg4[%multiple_of3A_140] : memref<107520xf32, #tpu.memory_space<hbm>> -> memref<320xf32, #tpu.memory_space<hbm>>
    %dma_wait3A_215 = tpu.memref_slice %arg4[%multiple_of3A_140] : memref<107520xf32, #tpu.memory_space<hbm>> -> memref<320xf32, #tpu.memory_space<hbm>>
    %dma_wait3A_216 = arith.constant 3520 : i32
    %dma_wait3A_217 = tpu.memref_slice %arg7[%dma_wait3A_216] : memref<3840xf32, #tpu.memory_space<vmem>> -> memref<320xf32, #tpu.memory_space<vmem>>
    tpu.wait_dma2 semaphore(%arg8 : memref<!tpu.dma_semaphore, #tpu.memory_space<semaphore_mem>>) src(%dma_wait3A_217 : memref<320xf32, #tpu.memory_space<vmem>>) dst(%dma_wait3A_215 : memref<320xf32, #tpu.memory_space<hbm>>)
    return
  }
}

module attributes {stable_mosaic.version = 14 : i64} {
  func.func @body(%arg0: memref<21x40x128xf32, #tpu.memory_space<vmem>>, %arg1: memref<1x1xf32, #tpu.memory_space<smem>>) attributes {dimension_semantics = [], scalar_prefetch = 0 : i64, scratch_operands = 0 : i64, tpu.core_type = #tpu.core_type<tc>} {
    %iota3A = tpu.iota {dimensions = array<i32: 0>} : vector<40x128xi32>
    %mul3A = arith.constant 128 : i32
    %mul3A_0 = vector.broadcast %mul3A : i32 to vector<40x128xi32>
    %mul3A_1 = arith.muli %iota3A, %mul3A_0 : vector<40x128xi32>
    %iota3A_2 = tpu.iota {dimensions = array<i32: 1>} : vector<40x128xi32>
    %add3A = arith.addi %mul3A_1, %iota3A_2 : vector<40x128xi32>
    %lt3A = arith.constant 5000 : i32
    %lt3A_3 = vector.broadcast %lt3A : i32 to vector<40x128xi32>
    %lt3A_4 = arith.cmpi slt, %add3A, %lt3A_3 : vector<40x128xi32>
    %iota3A_5 = tpu.iota {dimensions = array<i32: 0>} : vector<128x128xi32>
    %iota3A_6 = tpu.iota {dimensions = array<i32: 1>} : vector<128x128xi32>
    %le3A = arith.cmpi sle, %iota3A_5, %iota3A_6 : vector<128x128xi32>
    %convert_element_type3A = arith.extui %le3A : vector<128x128xi1> to vector<128x128xi32>
    %convert_element_type3A_7 = arith.sitofp %convert_element_type3A : vector<128x128xi32> to vector<128x128xf32>
    %iota3A_8 = tpu.iota {dimensions = array<i32: 0>} : vector<40x40xi32>
    %iota3A_9 = tpu.iota {dimensions = array<i32: 1>} : vector<40x40xi32>
    %gt3A = arith.cmpi sgt, %iota3A_8, %iota3A_9 : vector<40x40xi32>
    %convert_element_type3A_10 = arith.extui %gt3A : vector<40x40xi1> to vector<40x40xi32>
    %convert_element_type3A_11 = arith.sitofp %convert_element_type3A_10 : vector<40x40xi32> to vector<40x40xf32>
    %get3A = arith.constant 18 : index
    %get3A_12 = arith.constant 0 : index
    %get3A_13 = arith.constant 0 : index
    %get3A_14 = vector.load %arg0[%get3A, %get3A_12, %get3A_13] : memref<21x40x128xf32, #tpu.memory_space<vmem>>, vector<1x40x128xf32>
    %get3A_15 = vector.shape_cast %get3A_14 : vector<1x40x128xf32> to vector<40x128xf32>
    %bitcast_convert_type3A = tpu.bitcast %get3A_15 : vector<40x128xf32> -> vector<40x128xi32>
    %get3A_16 = arith.constant 19 : index
    %get3A_17 = arith.constant 0 : index
    %get3A_18 = arith.constant 0 : index
    %get3A_19 = vector.load %arg0[%get3A_16, %get3A_17, %get3A_18] : memref<21x40x128xf32, #tpu.memory_space<vmem>>, vector<1x40x128xf32>
    %get3A_20 = vector.shape_cast %get3A_19 : vector<1x40x128xf32> to vector<40x128xf32>
    %bitcast_convert_type3A_21 = tpu.bitcast %get3A_20 : vector<40x128xf32> -> vector<40x128xi32>
    %get3A_22 = arith.constant 20 : index
    %get3A_23 = arith.constant 0 : index
    %get3A_24 = arith.constant 0 : index
    %get3A_25 = vector.load %arg0[%get3A_22, %get3A_23, %get3A_24] : memref<21x40x128xf32, #tpu.memory_space<vmem>>, vector<1x40x128xf32>
    %get3A_26 = vector.shape_cast %get3A_25 : vector<1x40x128xf32> to vector<40x128xf32>
    %bitcast_convert_type3A_27 = tpu.bitcast %get3A_26 : vector<40x128xf32> -> vector<40x128xi32>
    %get3A_28 = arith.constant 0 : index
    %get3A_29 = arith.constant 0 : index
    %get3A_30 = arith.constant 0 : index
    %get3A_31 = vector.load %arg0[%get3A_28, %get3A_29, %get3A_30] : memref<21x40x128xf32, #tpu.memory_space<vmem>>, vector<1x40x128xf32>
    %get3A_32 = vector.shape_cast %get3A_31 : vector<1x40x128xf32> to vector<40x128xf32>
    %get3A_33 = arith.constant 1 : index
    %get3A_34 = arith.constant 0 : index
    %get3A_35 = arith.constant 0 : index
    %get3A_36 = vector.load %arg0[%get3A_33, %get3A_34, %get3A_35] : memref<21x40x128xf32, #tpu.memory_space<vmem>>, vector<1x40x128xf32>
    %get3A_37 = vector.shape_cast %get3A_36 : vector<1x40x128xf32> to vector<40x128xf32>
    %get3A_38 = arith.constant 2 : index
    %get3A_39 = arith.constant 0 : index
    %get3A_40 = arith.constant 0 : index
    %get3A_41 = vector.load %arg0[%get3A_38, %get3A_39, %get3A_40] : memref<21x40x128xf32, #tpu.memory_space<vmem>>, vector<1x40x128xf32>
    %get3A_42 = vector.shape_cast %get3A_41 : vector<1x40x128xf32> to vector<40x128xf32>
    %get3A_43 = arith.constant 3 : index
    %get3A_44 = arith.constant 0 : index
    %get3A_45 = arith.constant 0 : index
    %get3A_46 = vector.load %arg0[%get3A_43, %get3A_44, %get3A_45] : memref<21x40x128xf32, #tpu.memory_space<vmem>>, vector<1x40x128xf32>
    %get3A_47 = vector.shape_cast %get3A_46 : vector<1x40x128xf32> to vector<40x128xf32>
    %get3A_48 = arith.constant 4 : index
    %get3A_49 = arith.constant 0 : index
    %get3A_50 = arith.constant 0 : index
    %get3A_51 = vector.load %arg0[%get3A_48, %get3A_49, %get3A_50] : memref<21x40x128xf32, #tpu.memory_space<vmem>>, vector<1x40x128xf32>
    %get3A_52 = vector.shape_cast %get3A_51 : vector<1x40x128xf32> to vector<40x128xf32>
    %get3A_53 = arith.constant 5 : index
    %get3A_54 = arith.constant 0 : index
    %get3A_55 = arith.constant 0 : index
    %get3A_56 = vector.load %arg0[%get3A_53, %get3A_54, %get3A_55] : memref<21x40x128xf32, #tpu.memory_space<vmem>>, vector<1x40x128xf32>
    %get3A_57 = vector.shape_cast %get3A_56 : vector<1x40x128xf32> to vector<40x128xf32>
    %get3A_58 = arith.constant 6 : index
    %get3A_59 = arith.constant 0 : index
    %get3A_60 = arith.constant 0 : index
    %get3A_61 = vector.load %arg0[%get3A_58, %get3A_59, %get3A_60] : memref<21x40x128xf32, #tpu.memory_space<vmem>>, vector<1x40x128xf32>
    %get3A_62 = vector.shape_cast %get3A_61 : vector<1x40x128xf32> to vector<40x128xf32>
    %get3A_63 = arith.constant 7 : index
    %get3A_64 = arith.constant 0 : index
    %get3A_65 = arith.constant 0 : index
    %get3A_66 = vector.load %arg0[%get3A_63, %get3A_64, %get3A_65] : memref<21x40x128xf32, #tpu.memory_space<vmem>>, vector<1x40x128xf32>
    %get3A_67 = vector.shape_cast %get3A_66 : vector<1x40x128xf32> to vector<40x128xf32>
    %get3A_68 = arith.constant 8 : index
    %get3A_69 = arith.constant 0 : index
    %get3A_70 = arith.constant 0 : index
    %get3A_71 = vector.load %arg0[%get3A_68, %get3A_69, %get3A_70] : memref<21x40x128xf32, #tpu.memory_space<vmem>>, vector<1x40x128xf32>
    %get3A_72 = vector.shape_cast %get3A_71 : vector<1x40x128xf32> to vector<40x128xf32>
    %min3A = arith.minimumf %get3A_32, %get3A_47 : vector<40x128xf32>
    %min3A_73 = arith.minimumf %min3A, %get3A_62 : vector<40x128xf32>
    %min3A_74 = arith.minimumf %get3A_37, %get3A_52 : vector<40x128xf32>
    %min3A_75 = arith.minimumf %min3A_74, %get3A_67 : vector<40x128xf32>
    %min3A_76 = arith.minimumf %get3A_42, %get3A_57 : vector<40x128xf32>
    %min3A_77 = arith.minimumf %min3A_76, %get3A_72 : vector<40x128xf32>
    %max3A = arith.maximumf %get3A_32, %get3A_47 : vector<40x128xf32>
    %max3A_78 = arith.maximumf %max3A, %get3A_62 : vector<40x128xf32>
    %max3A_79 = arith.maximumf %get3A_37, %get3A_52 : vector<40x128xf32>
    %max3A_80 = arith.maximumf %max3A_79, %get3A_67 : vector<40x128xf32>
    %max3A_81 = arith.maximumf %get3A_42, %get3A_57 : vector<40x128xf32>
    %max3A_82 = arith.maximumf %max3A_81, %get3A_72 : vector<40x128xf32>
    %while3A = arith.constant 0 : i32
    %while3A_83 = arith.constant 0 : i32
    %while3A_84 = arith.constant 0.000000e+00 : f32
    %while3A_85:3 = scf.while (%while3A_152 = %while3A, %while3A_153 = %while3A_83, %while3A_154 = %while3A_84) : (i32, i32, f32) -> (i32, i32, f32) {
      %lt3A_155 = arith.constant 128 : i32
      %lt3A_156 = arith.cmpi slt, %while3A_153, %lt3A_155 : i32
      %lt3A_157 = arith.constant 5000 : i32
      %lt3A_158 = arith.cmpi slt, %while3A_152, %lt3A_157 : i32
      %and3A = arith.andi %lt3A_156, %lt3A_158 : i1
      scf.condition(%and3A) %while3A_152, %while3A_153, %while3A_154 : i32, i32, f32
    } do {
    ^bb0(%while3A_152: i32, %while3A_153: i32, %while3A_154: f32):
      %eq3A = vector.broadcast %while3A_152 : i32 to vector<40x128xi32>
      %eq3A_155 = arith.cmpi eq, %add3A, %eq3A : vector<40x128xi32>
      %jit3A = arith.constant 0.000000e+00 : f32
      %broadcast_in_dim3A = vector.broadcast %jit3A : f32 to vector<40x128xf32>
      %select_n3A = arith.select %eq3A_155, %get3A_32, %broadcast_in_dim3A : vector<40x128xi1>, vector<40x128xf32>
      %reduce_sum3A = vector.shape_cast %select_n3A : vector<40x128xf32> to vector<1x40x128xf32>
      %reduce_sum3A_156 = arith.constant dense<0.000000e+00> : vector<1xf32>
      %reduce_sum3A_157 = vector.multi_reduction <add>, %reduce_sum3A, %reduce_sum3A_156 [1, 2] : vector<1x40x128xf32> to vector<1xf32>
      %reduce_sum3A_158 = vector.shape_cast %reduce_sum3A_157 : vector<1xf32> to vector<1x1x1xf32>
      %reduce_sum3A_159 = vector.extract %reduce_sum3A_158[0, 0, 0] : f32 from vector<1x1x1xf32>
      %jit3A_160 = arith.constant 0.000000e+00 : f32
      %broadcast_in_dim3A_161 = vector.broadcast %jit3A_160 : f32 to vector<40x128xf32>
      %select_n3A_162 = arith.select %eq3A_155, %get3A_37, %broadcast_in_dim3A_161 : vector<40x128xi1>, vector<40x128xf32>
      %reduce_sum3A_163 = vector.shape_cast %select_n3A_162 : vector<40x128xf32> to vector<1x40x128xf32>
      %reduce_sum3A_164 = arith.constant dense<0.000000e+00> : vector<1xf32>
      %reduce_sum3A_165 = vector.multi_reduction <add>, %reduce_sum3A_163, %reduce_sum3A_164 [1, 2] : vector<1x40x128xf32> to vector<1xf32>
      %reduce_sum3A_166 = vector.shape_cast %reduce_sum3A_165 : vector<1xf32> to vector<1x1x1xf32>
      %reduce_sum3A_167 = vector.extract %reduce_sum3A_166[0, 0, 0] : f32 from vector<1x1x1xf32>
      %jit3A_168 = arith.constant 0.000000e+00 : f32
      %broadcast_in_dim3A_169 = vector.broadcast %jit3A_168 : f32 to vector<40x128xf32>
      %select_n3A_170 = arith.select %eq3A_155, %get3A_42, %broadcast_in_dim3A_169 : vector<40x128xi1>, vector<40x128xf32>
      %reduce_sum3A_171 = vector.shape_cast %select_n3A_170 : vector<40x128xf32> to vector<1x40x128xf32>
      %reduce_sum3A_172 = arith.constant dense<0.000000e+00> : vector<1xf32>
      %reduce_sum3A_173 = vector.multi_reduction <add>, %reduce_sum3A_171, %reduce_sum3A_172 [1, 2] : vector<1x40x128xf32> to vector<1xf32>
      %reduce_sum3A_174 = vector.shape_cast %reduce_sum3A_173 : vector<1xf32> to vector<1x1x1xf32>
      %reduce_sum3A_175 = vector.extract %reduce_sum3A_174[0, 0, 0] : f32 from vector<1x1x1xf32>
      %jit3A_176 = arith.constant 0.000000e+00 : f32
      %broadcast_in_dim3A_177 = vector.broadcast %jit3A_176 : f32 to vector<40x128xf32>
      %select_n3A_178 = arith.select %eq3A_155, %get3A_47, %broadcast_in_dim3A_177 : vector<40x128xi1>, vector<40x128xf32>
      %reduce_sum3A_179 = vector.shape_cast %select_n3A_178 : vector<40x128xf32> to vector<1x40x128xf32>
      %reduce_sum3A_180 = arith.constant dense<0.000000e+00> : vector<1xf32>
      %reduce_sum3A_181 = vector.multi_reduction <add>, %reduce_sum3A_179, %reduce_sum3A_180 [1, 2] : vector<1x40x128xf32> to vector<1xf32>
      %reduce_sum3A_182 = vector.shape_cast %reduce_sum3A_181 : vector<1xf32> to vector<1x1x1xf32>
      %reduce_sum3A_183 = vector.extract %reduce_sum3A_182[0, 0, 0] : f32 from vector<1x1x1xf32>
      %jit3A_184 = arith.constant 0.000000e+00 : f32
      %broadcast_in_dim3A_185 = vector.broadcast %jit3A_184 : f32 to vector<40x128xf32>
      %select_n3A_186 = arith.select %eq3A_155, %get3A_52, %broadcast_in_dim3A_185 : vector<40x128xi1>, vector<40x128xf32>
      %reduce_sum3A_187 = vector.shape_cast %select_n3A_186 : vector<40x128xf32> to vector<1x40x128xf32>
      %reduce_sum3A_188 = arith.constant dense<0.000000e+00> : vector<1xf32>
      %reduce_sum3A_189 = vector.multi_reduction <add>, %reduce_sum3A_187, %reduce_sum3A_188 [1, 2] : vector<1x40x128xf32> to vector<1xf32>
      %reduce_sum3A_190 = vector.shape_cast %reduce_sum3A_189 : vector<1xf32> to vector<1x1x1xf32>
      %reduce_sum3A_191 = vector.extract %reduce_sum3A_190[0, 0, 0] : f32 from vector<1x1x1xf32>
      %jit3A_192 = arith.constant 0.000000e+00 : f32
      %broadcast_in_dim3A_193 = vector.broadcast %jit3A_192 : f32 to vector<40x128xf32>
      %select_n3A_194 = arith.select %eq3A_155, %get3A_57, %broadcast_in_dim3A_193 : vector<40x128xi1>, vector<40x128xf32>
      %reduce_sum3A_195 = vector.shape_cast %select_n3A_194 : vector<40x128xf32> to vector<1x40x128xf32>
      %reduce_sum3A_196 = arith.constant dense<0.000000e+00> : vector<1xf32>
      %reduce_sum3A_197 = vector.multi_reduction <add>, %reduce_sum3A_195, %reduce_sum3A_196 [1, 2] : vector<1x40x128xf32> to vector<1xf32>
      %reduce_sum3A_198 = vector.shape_cast %reduce_sum3A_197 : vector<1xf32> to vector<1x1x1xf32>
      %reduce_sum3A_199 = vector.extract %reduce_sum3A_198[0, 0, 0] : f32 from vector<1x1x1xf32>
      %jit3A_200 = arith.constant 0.000000e+00 : f32
      %broadcast_in_dim3A_201 = vector.broadcast %jit3A_200 : f32 to vector<40x128xf32>
      %select_n3A_202 = arith.select %eq3A_155, %get3A_62, %broadcast_in_dim3A_201 : vector<40x128xi1>, vector<40x128xf32>
      %reduce_sum3A_203 = vector.shape_cast %select_n3A_202 : vector<40x128xf32> to vector<1x40x128xf32>
      %reduce_sum3A_204 = arith.constant dense<0.000000e+00> : vector<1xf32>
      %reduce_sum3A_205 = vector.multi_reduction <add>, %reduce_sum3A_203, %reduce_sum3A_204 [1, 2] : vector<1x40x128xf32> to vector<1xf32>
      %reduce_sum3A_206 = vector.shape_cast %reduce_sum3A_205 : vector<1xf32> to vector<1x1x1xf32>
      %reduce_sum3A_207 = vector.extract %reduce_sum3A_206[0, 0, 0] : f32 from vector<1x1x1xf32>
      %jit3A_208 = arith.constant 0.000000e+00 : f32
      %broadcast_in_dim3A_209 = vector.broadcast %jit3A_208 : f32 to vector<40x128xf32>
      %select_n3A_210 = arith.select %eq3A_155, %get3A_67, %broadcast_in_dim3A_209 : vector<40x128xi1>, vector<40x128xf32>
      %reduce_sum3A_211 = vector.shape_cast %select_n3A_210 : vector<40x128xf32> to vector<1x40x128xf32>
      %reduce_sum3A_212 = arith.constant dense<0.000000e+00> : vector<1xf32>
      %reduce_sum3A_213 = vector.multi_reduction <add>, %reduce_sum3A_211, %reduce_sum3A_212 [1, 2] : vector<1x40x128xf32> to vector<1xf32>
      %reduce_sum3A_214 = vector.shape_cast %reduce_sum3A_213 : vector<1xf32> to vector<1x1x1xf32>
      %reduce_sum3A_215 = vector.extract %reduce_sum3A_214[0, 0, 0] : f32 from vector<1x1x1xf32>
      %jit3A_216 = arith.constant 0.000000e+00 : f32
      %broadcast_in_dim3A_217 = vector.broadcast %jit3A_216 : f32 to vector<40x128xf32>
      %select_n3A_218 = arith.select %eq3A_155, %get3A_72, %broadcast_in_dim3A_217 : vector<40x128xi1>, vector<40x128xf32>
      %reduce_sum3A_219 = vector.shape_cast %select_n3A_218 : vector<40x128xf32> to vector<1x40x128xf32>
      %reduce_sum3A_220 = arith.constant dense<0.000000e+00> : vector<1xf32>
      %reduce_sum3A_221 = vector.multi_reduction <add>, %reduce_sum3A_219, %reduce_sum3A_220 [1, 2] : vector<1x40x128xf32> to vector<1xf32>
      %reduce_sum3A_222 = vector.shape_cast %reduce_sum3A_221 : vector<1xf32> to vector<1x1x1xf32>
      %reduce_sum3A_223 = vector.extract %reduce_sum3A_222[0, 0, 0] : f32 from vector<1x1x1xf32>
      %jit3A_224 = arith.constant 0.000000e+00 : f32
      %broadcast_in_dim3A_225 = vector.broadcast %jit3A_224 : f32 to vector<40x128xf32>
      %select_n3A_226 = arith.select %eq3A_155, %min3A_73, %broadcast_in_dim3A_225 : vector<40x128xi1>, vector<40x128xf32>
      %reduce_sum3A_227 = vector.shape_cast %select_n3A_226 : vector<40x128xf32> to vector<1x40x128xf32>
      %reduce_sum3A_228 = arith.constant dense<0.000000e+00> : vector<1xf32>
      %reduce_sum3A_229 = vector.multi_reduction <add>, %reduce_sum3A_227, %reduce_sum3A_228 [1, 2] : vector<1x40x128xf32> to vector<1xf32>
      %reduce_sum3A_230 = vector.shape_cast %reduce_sum3A_229 : vector<1xf32> to vector<1x1x1xf32>
      %reduce_sum3A_231 = vector.extract %reduce_sum3A_230[0, 0, 0] : f32 from vector<1x1x1xf32>
      %jit3A_232 = arith.constant 0.000000e+00 : f32
      %broadcast_in_dim3A_233 = vector.broadcast %jit3A_232 : f32 to vector<40x128xf32>
      %select_n3A_234 = arith.select %eq3A_155, %min3A_75, %broadcast_in_dim3A_233 : vector<40x128xi1>, vector<40x128xf32>
      %reduce_sum3A_235 = vector.shape_cast %select_n3A_234 : vector<40x128xf32> to vector<1x40x128xf32>
      %reduce_sum3A_236 = arith.constant dense<0.000000e+00> : vector<1xf32>
      %reduce_sum3A_237 = vector.multi_reduction <add>, %reduce_sum3A_235, %reduce_sum3A_236 [1, 2] : vector<1x40x128xf32> to vector<1xf32>
      %reduce_sum3A_238 = vector.shape_cast %reduce_sum3A_237 : vector<1xf32> to vector<1x1x1xf32>
      %reduce_sum3A_239 = vector.extract %reduce_sum3A_238[0, 0, 0] : f32 from vector<1x1x1xf32>
      %jit3A_240 = arith.constant 0.000000e+00 : f32
      %broadcast_in_dim3A_241 = vector.broadcast %jit3A_240 : f32 to vector<40x128xf32>
      %select_n3A_242 = arith.select %eq3A_155, %min3A_77, %broadcast_in_dim3A_241 : vector<40x128xi1>, vector<40x128xf32>
      %reduce_sum3A_243 = vector.shape_cast %select_n3A_242 : vector<40x128xf32> to vector<1x40x128xf32>
      %reduce_sum3A_244 = arith.constant dense<0.000000e+00> : vector<1xf32>
      %reduce_sum3A_245 = vector.multi_reduction <add>, %reduce_sum3A_243, %reduce_sum3A_244 [1, 2] : vector<1x40x128xf32> to vector<1xf32>
      %reduce_sum3A_246 = vector.shape_cast %reduce_sum3A_245 : vector<1xf32> to vector<1x1x1xf32>
      %reduce_sum3A_247 = vector.extract %reduce_sum3A_246[0, 0, 0] : f32 from vector<1x1x1xf32>
      %jit3A_248 = arith.constant 0.000000e+00 : f32
      %broadcast_in_dim3A_249 = vector.broadcast %jit3A_248 : f32 to vector<40x128xf32>
      %select_n3A_250 = arith.select %eq3A_155, %max3A_78, %broadcast_in_dim3A_249 : vector<40x128xi1>, vector<40x128xf32>
      %reduce_sum3A_251 = vector.shape_cast %select_n3A_250 : vector<40x128xf32> to vector<1x40x128xf32>
      %reduce_sum3A_252 = arith.constant dense<0.000000e+00> : vector<1xf32>
      %reduce_sum3A_253 = vector.multi_reduction <add>, %reduce_sum3A_251, %reduce_sum3A_252 [1, 2] : vector<1x40x128xf32> to vector<1xf32>
      %reduce_sum3A_254 = vector.shape_cast %reduce_sum3A_253 : vector<1xf32> to vector<1x1x1xf32>
      %reduce_sum3A_255 = vector.extract %reduce_sum3A_254[0, 0, 0] : f32 from vector<1x1x1xf32>
      %jit3A_256 = arith.constant 0.000000e+00 : f32
      %broadcast_in_dim3A_257 = vector.broadcast %jit3A_256 : f32 to vector<40x128xf32>
      %select_n3A_258 = arith.select %eq3A_155, %max3A_80, %broadcast_in_dim3A_257 : vector<40x128xi1>, vector<40x128xf32>
      %reduce_sum3A_259 = vector.shape_cast %select_n3A_258 : vector<40x128xf32> to vector<1x40x128xf32>
      %reduce_sum3A_260 = arith.constant dense<0.000000e+00> : vector<1xf32>
      %reduce_sum3A_261 = vector.multi_reduction <add>, %reduce_sum3A_259, %reduce_sum3A_260 [1, 2] : vector<1x40x128xf32> to vector<1xf32>
      %reduce_sum3A_262 = vector.shape_cast %reduce_sum3A_261 : vector<1xf32> to vector<1x1x1xf32>
      %reduce_sum3A_263 = vector.extract %reduce_sum3A_262[0, 0, 0] : f32 from vector<1x1x1xf32>
      %jit3A_264 = arith.constant 0.000000e+00 : f32
      %broadcast_in_dim3A_265 = vector.broadcast %jit3A_264 : f32 to vector<40x128xf32>
      %select_n3A_266 = arith.select %eq3A_155, %max3A_82, %broadcast_in_dim3A_265 : vector<40x128xi1>, vector<40x128xf32>
      %reduce_sum3A_267 = vector.shape_cast %select_n3A_266 : vector<40x128xf32> to vector<1x40x128xf32>
      %reduce_sum3A_268 = arith.constant dense<0.000000e+00> : vector<1xf32>
      %reduce_sum3A_269 = vector.multi_reduction <add>, %reduce_sum3A_267, %reduce_sum3A_268 [1, 2] : vector<1x40x128xf32> to vector<1xf32>
      %reduce_sum3A_270 = vector.shape_cast %reduce_sum3A_269 : vector<1xf32> to vector<1x1x1xf32>
      %reduce_sum3A_271 = vector.extract %reduce_sum3A_270[0, 0, 0] : f32 from vector<1x1x1xf32>
      %jit3A_272 = arith.constant 0 : i32
      %broadcast_in_dim3A_273 = vector.broadcast %jit3A_272 : i32 to vector<40x128xi32>
      %select_n3A_274 = arith.select %eq3A_155, %bitcast_convert_type3A, %broadcast_in_dim3A_273 : vector<40x128xi1>, vector<40x128xi32>
      %reduce_sum3A_275 = vector.shape_cast %select_n3A_274 : vector<40x128xi32> to vector<1x40x128xi32>
      %reduce_sum3A_276 = arith.constant dense<0> : vector<1xi32>
      %reduce_sum3A_277 = vector.multi_reduction <add>, %reduce_sum3A_275, %reduce_sum3A_276 [1, 2] : vector<1x40x128xi32> to vector<1xi32>
      %reduce_sum3A_278 = vector.shape_cast %reduce_sum3A_277 : vector<1xi32> to vector<1x1x1xi32>
      %reduce_sum3A_279 = vector.extract %reduce_sum3A_278[0, 0, 0] : i32 from vector<1x1x1xi32>
      %jit3A_280 = arith.constant 0 : i32
      %broadcast_in_dim3A_281 = vector.broadcast %jit3A_280 : i32 to vector<40x128xi32>
      %select_n3A_282 = arith.select %eq3A_155, %bitcast_convert_type3A_21, %broadcast_in_dim3A_281 : vector<40x128xi1>, vector<40x128xi32>
      %reduce_sum3A_283 = vector.shape_cast %select_n3A_282 : vector<40x128xi32> to vector<1x40x128xi32>
      %reduce_sum3A_284 = arith.constant dense<0> : vector<1xi32>
      %reduce_sum3A_285 = vector.multi_reduction <add>, %reduce_sum3A_283, %reduce_sum3A_284 [1, 2] : vector<1x40x128xi32> to vector<1xi32>
      %reduce_sum3A_286 = vector.shape_cast %reduce_sum3A_285 : vector<1xi32> to vector<1x1x1xi32>
      %reduce_sum3A_287 = vector.extract %reduce_sum3A_286[0, 0, 0] : i32 from vector<1x1x1xi32>
      %jit3A_288 = arith.constant 0 : i32
      %broadcast_in_dim3A_289 = vector.broadcast %jit3A_288 : i32 to vector<40x128xi32>
      %select_n3A_290 = arith.select %eq3A_155, %bitcast_convert_type3A_27, %broadcast_in_dim3A_289 : vector<40x128xi1>, vector<40x128xi32>
      %reduce_sum3A_291 = vector.shape_cast %select_n3A_290 : vector<40x128xi32> to vector<1x40x128xi32>
      %reduce_sum3A_292 = arith.constant dense<0> : vector<1xi32>
      %reduce_sum3A_293 = vector.multi_reduction <add>, %reduce_sum3A_291, %reduce_sum3A_292 [1, 2] : vector<1x40x128xi32> to vector<1xi32>
      %reduce_sum3A_294 = vector.shape_cast %reduce_sum3A_293 : vector<1xi32> to vector<1x1x1xi32>
      %reduce_sum3A_295 = vector.extract %reduce_sum3A_294[0, 0, 0] : i32 from vector<1x1x1xi32>
      %gt3A_296 = vector.broadcast %while3A_152 : i32 to vector<40x128xi32>
      %gt3A_297 = arith.cmpi sgt, %add3A, %gt3A_296 : vector<40x128xi32>
      %and3A = arith.andi %lt3A_4, %gt3A_297 : vector<40x128xi1>
      %le3A_298 = vector.broadcast %reduce_sum3A_231 : f32 to vector<40x128xf32>
      %le3A_299 = arith.cmpf ole, %le3A_298, %max3A_78 : vector<40x128xf32>
      %and3A_300 = arith.andi %and3A, %le3A_299 : vector<40x128xi1>
      %ge3A = vector.broadcast %reduce_sum3A_255 : f32 to vector<40x128xf32>
      %ge3A_301 = arith.cmpf oge, %ge3A, %min3A_73 : vector<40x128xf32>
      %and3A_302 = arith.andi %and3A_300, %ge3A_301 : vector<40x128xi1>
      %le3A_303 = vector.broadcast %reduce_sum3A_239 : f32 to vector<40x128xf32>
      %le3A_304 = arith.cmpf ole, %le3A_303, %max3A_80 : vector<40x128xf32>
      %and3A_305 = arith.andi %and3A_302, %le3A_304 : vector<40x128xi1>
      %ge3A_306 = vector.broadcast %reduce_sum3A_263 : f32 to vector<40x128xf32>
      %ge3A_307 = arith.cmpf oge, %ge3A_306, %min3A_75 : vector<40x128xf32>
      %and3A_308 = arith.andi %and3A_305, %ge3A_307 : vector<40x128xi1>
      %le3A_309 = vector.broadcast %reduce_sum3A_247 : f32 to vector<40x128xf32>
      %le3A_310 = arith.cmpf ole, %le3A_309, %max3A_82 : vector<40x128xf32>
      %and3A_311 = arith.andi %and3A_308, %le3A_310 : vector<40x128xi1>
      %ge3A_312 = vector.broadcast %reduce_sum3A_271 : f32 to vector<40x128xf32>
      %ge3A_313 = arith.cmpf oge, %ge3A_312, %min3A_77 : vector<40x128xf32>
      %and3A_314 = arith.andi %and3A_311, %ge3A_313 : vector<40x128xi1>
      %eq3A_315 = vector.broadcast %reduce_sum3A_279 : i32 to vector<40x128xi32>
      %eq3A_316 = arith.cmpi eq, %bitcast_convert_type3A, %eq3A_315 : vector<40x128xi32>
      %eq3A_317 = vector.broadcast %reduce_sum3A_279 : i32 to vector<40x128xi32>
      %eq3A_318 = arith.cmpi eq, %bitcast_convert_type3A_21, %eq3A_317 : vector<40x128xi32>
      %or3A = arith.ori %eq3A_316, %eq3A_318 : vector<40x128xi1>
      %eq3A_319 = vector.broadcast %reduce_sum3A_279 : i32 to vector<40x128xi32>
      %eq3A_320 = arith.cmpi eq, %bitcast_convert_type3A_27, %eq3A_319 : vector<40x128xi32>
      %or3A_321 = arith.ori %or3A, %eq3A_320 : vector<40x128xi1>
      %eq3A_322 = vector.broadcast %reduce_sum3A_287 : i32 to vector<40x128xi32>
      %eq3A_323 = arith.cmpi eq, %bitcast_convert_type3A, %eq3A_322 : vector<40x128xi32>
      %or3A_324 = arith.ori %or3A_321, %eq3A_323 : vector<40x128xi1>
      %eq3A_325 = vector.broadcast %reduce_sum3A_287 : i32 to vector<40x128xi32>
      %eq3A_326 = arith.cmpi eq, %bitcast_convert_type3A_21, %eq3A_325 : vector<40x128xi32>
      %or3A_327 = arith.ori %or3A_324, %eq3A_326 : vector<40x128xi1>
      %eq3A_328 = vector.broadcast %reduce_sum3A_287 : i32 to vector<40x128xi32>
      %eq3A_329 = arith.cmpi eq, %bitcast_convert_type3A_27, %eq3A_328 : vector<40x128xi32>
      %or3A_330 = arith.ori %or3A_327, %eq3A_329 : vector<40x128xi1>
      %eq3A_331 = vector.broadcast %reduce_sum3A_295 : i32 to vector<40x128xi32>
      %eq3A_332 = arith.cmpi eq, %bitcast_convert_type3A, %eq3A_331 : vector<40x128xi32>
      %or3A_333 = arith.ori %or3A_330, %eq3A_332 : vector<40x128xi1>
      %eq3A_334 = vector.broadcast %reduce_sum3A_295 : i32 to vector<40x128xi32>
      %eq3A_335 = arith.cmpi eq, %bitcast_convert_type3A_21, %eq3A_334 : vector<40x128xi32>
      %or3A_336 = arith.ori %or3A_333, %eq3A_335 : vector<40x128xi1>
      %eq3A_337 = vector.broadcast %reduce_sum3A_295 : i32 to vector<40x128xi32>
      %eq3A_338 = arith.cmpi eq, %bitcast_convert_type3A_27, %eq3A_337 : vector<40x128xi32>
      %or3A_339 = arith.ori %or3A_336, %eq3A_338 : vector<40x128xi1>
      %not3A = arith.constant dense<true> : vector<40x128xi1>
      %not3A_340 = arith.xori %or3A_339, %not3A : vector<40x128xi1>
      %and3A_341 = arith.andi %and3A_314, %not3A_340 : vector<40x128xi1>
      %convert_element_type3A_342 = arith.extui %and3A_341 : vector<40x128xi1> to vector<40x128xi32>
      %convert_element_type3A_343 = arith.sitofp %convert_element_type3A_342 : vector<40x128xi32> to vector<40x128xf32>
      %convert_element_type3A_344 = arith.extui %and3A_341 : vector<40x128xi1> to vector<40x128xi32>
      %reduce_sum3A_345 = vector.shape_cast %convert_element_type3A_344 : vector<40x128xi32> to vector<1x40x128xi32>
      %reduce_sum3A_346 = arith.constant dense<0> : vector<1xi32>
      %reduce_sum3A_347 = vector.multi_reduction <add>, %reduce_sum3A_345, %reduce_sum3A_346 [1, 2] : vector<1x40x128xi32> to vector<1xi32>
      %reduce_sum3A_348 = vector.shape_cast %reduce_sum3A_347 : vector<1xi32> to vector<1x1x1xi32>
      %reduce_sum3A_349 = vector.extract %reduce_sum3A_348[0, 0, 0] : i32 from vector<1x1x1xi32>
      %add3A_350 = arith.addf %reduce_sum3A_159, %reduce_sum3A_183 : f32
      %add3A_351 = arith.addf %add3A_350, %reduce_sum3A_207 : f32
      %div3A = arith.constant 3.000000e+00 : f32
      %div3A_352 = arith.divf %add3A_351, %div3A : f32
      %add3A_353 = arith.addf %reduce_sum3A_167, %reduce_sum3A_191 : f32
      %add3A_354 = arith.addf %add3A_353, %reduce_sum3A_215 : f32
      %div3A_355 = arith.constant 3.000000e+00 : f32
      %div3A_356 = arith.divf %add3A_354, %div3A_355 : f32
      %add3A_357 = arith.addf %reduce_sum3A_175, %reduce_sum3A_199 : f32
      %add3A_358 = arith.addf %add3A_357, %reduce_sum3A_223 : f32
      %div3A_359 = arith.constant 3.000000e+00 : f32
      %div3A_360 = arith.divf %add3A_358, %div3A_359 : f32
      %sub3A = arith.subf %reduce_sum3A_183, %reduce_sum3A_159 : f32
      %sub3A_361 = arith.subf %reduce_sum3A_191, %reduce_sum3A_167 : f32
      %sub3A_362 = arith.subf %reduce_sum3A_199, %reduce_sum3A_175 : f32
      %sub3A_363 = arith.subf %reduce_sum3A_207, %reduce_sum3A_159 : f32
      %sub3A_364 = arith.subf %reduce_sum3A_215, %reduce_sum3A_167 : f32
      %sub3A_365 = arith.subf %reduce_sum3A_223, %reduce_sum3A_175 : f32
      %mul3A_366 = arith.mulf %sub3A_361, %sub3A_365 : f32
      %mul3A_367 = arith.mulf %sub3A_362, %sub3A_364 : f32
      %sub3A_368 = arith.subf %mul3A_366, %mul3A_367 : f32
      %mul3A_369 = arith.mulf %sub3A_362, %sub3A_363 : f32
      %mul3A_370 = arith.mulf %sub3A, %sub3A_365 : f32
      %sub3A_371 = arith.subf %mul3A_369, %mul3A_370 : f32
      %mul3A_372 = arith.mulf %sub3A, %sub3A_364 : f32
      %mul3A_373 = arith.mulf %sub3A_361, %sub3A_363 : f32
      %sub3A_374 = arith.subf %mul3A_372, %mul3A_373 : f32
      %mul3A_375 = arith.mulf %sub3A_368, %sub3A_368 : f32
      %mul3A_376 = arith.mulf %sub3A_371, %sub3A_371 : f32
      %add3A_377 = arith.addf %mul3A_375, %mul3A_376 : f32
      %mul3A_378 = arith.mulf %sub3A_374, %sub3A_374 : f32
      %add3A_379 = arith.addf %add3A_377, %mul3A_378 : f32
      %sqrt3A = math.sqrt %add3A_379 : f32
      %add3A_380 = arith.constant 9.99999971E-10 : f32
      %add3A_381 = arith.addf %sqrt3A, %add3A_380 : f32
      %div3A_382 = arith.divf %sub3A_368, %add3A_381 : f32
      %div3A_383 = arith.divf %sub3A_371, %add3A_381 : f32
      %div3A_384 = arith.divf %sub3A_374, %add3A_381 : f32
      %sub3A_385 = arith.subf %reduce_sum3A_159, %div3A_352 : f32
      %sub3A_386 = arith.subf %reduce_sum3A_167, %div3A_356 : f32
      %sub3A_387 = arith.subf %reduce_sum3A_175, %div3A_360 : f32
      %mul3A_388 = arith.mulf %sub3A_385, %sub3A_385 : f32
      %mul3A_389 = arith.mulf %sub3A_386, %sub3A_386 : f32
      %add3A_390 = arith.addf %mul3A_388, %mul3A_389 : f32
      %mul3A_391 = arith.mulf %sub3A_387, %sub3A_387 : f32
      %add3A_392 = arith.addf %add3A_390, %mul3A_391 : f32
      %sqrt3A_393 = math.sqrt %add3A_392 : f32
      %max3A_394 = arith.constant 0.000000e+00 : f32
      %max3A_395 = arith.maximumf %max3A_394, %sqrt3A_393 : f32
      %sub3A_396 = arith.subf %reduce_sum3A_183, %div3A_352 : f32
      %sub3A_397 = arith.subf %reduce_sum3A_191, %div3A_356 : f32
      %sub3A_398 = arith.subf %reduce_sum3A_199, %div3A_360 : f32
      %mul3A_399 = arith.mulf %sub3A_396, %sub3A_396 : f32
      %mul3A_400 = arith.mulf %sub3A_397, %sub3A_397 : f32
      %add3A_401 = arith.addf %mul3A_399, %mul3A_400 : f32
      %mul3A_402 = arith.mulf %sub3A_398, %sub3A_398 : f32
      %add3A_403 = arith.addf %add3A_401, %mul3A_402 : f32
      %sqrt3A_404 = math.sqrt %add3A_403 : f32
      %max3A_405 = arith.maximumf %max3A_395, %sqrt3A_404 : f32
      %sub3A_406 = arith.subf %reduce_sum3A_207, %div3A_352 : f32
      %sub3A_407 = arith.subf %reduce_sum3A_215, %div3A_356 : f32
      %sub3A_408 = arith.subf %reduce_sum3A_223, %div3A_360 : f32
      %mul3A_409 = arith.mulf %sub3A_406, %sub3A_406 : f32
      %mul3A_410 = arith.mulf %sub3A_407, %sub3A_407 : f32
      %add3A_411 = arith.addf %mul3A_409, %mul3A_410 : f32
      %mul3A_412 = arith.mulf %sub3A_408, %sub3A_408 : f32
      %add3A_413 = arith.addf %add3A_411, %mul3A_412 : f32
      %sqrt3A_414 = math.sqrt %add3A_413 : f32
      %max3A_415 = arith.maximumf %max3A_405, %sqrt3A_414 : f32
      %add3A_416 = arith.constant 9.99999971E-10 : f32
      %add3A_417 = arith.addf %max3A_415, %add3A_416 : f32
      %div3A_418 = arith.constant 1.000000e+00 : f32
      %div3A_419 = arith.divf %div3A_418, %add3A_417 : f32
      %broadcast_in_dim3A_420 = arith.constant 0.000000e+00 : f32
      %broadcast_in_dim3A_421 = vector.broadcast %broadcast_in_dim3A_420 : f32 to vector<40x128xf32>
      %sub3A_422 = vector.broadcast %div3A_352 : f32 to vector<40x128xf32>
      %sub3A_423 = arith.subf %get3A_32, %sub3A_422 : vector<40x128xf32>
      %sub3A_424 = vector.broadcast %div3A_356 : f32 to vector<40x128xf32>
      %sub3A_425 = arith.subf %get3A_37, %sub3A_424 : vector<40x128xf32>
      %sub3A_426 = vector.broadcast %div3A_360 : f32 to vector<40x128xf32>
      %sub3A_427 = arith.subf %get3A_42, %sub3A_426 : vector<40x128xf32>
      %mul3A_428 = vector.broadcast %div3A_382 : f32 to vector<40x128xf32>
      %mul3A_429 = arith.mulf %sub3A_423, %mul3A_428 : vector<40x128xf32>
      %mul3A_430 = vector.broadcast %div3A_383 : f32 to vector<40x128xf32>
      %mul3A_431 = arith.mulf %sub3A_425, %mul3A_430 : vector<40x128xf32>
      %add3A_432 = arith.addf %mul3A_429, %mul3A_431 : vector<40x128xf32>
      %mul3A_433 = vector.broadcast %div3A_384 : f32 to vector<40x128xf32>
      %mul3A_434 = arith.mulf %sub3A_427, %mul3A_433 : vector<40x128xf32>
      %add3A_435 = arith.addf %add3A_432, %mul3A_434 : vector<40x128xf32>
      %mul3A_436 = vector.broadcast %div3A_382 : f32 to vector<40x128xf32>
      %mul3A_437 = arith.mulf %add3A_435, %mul3A_436 : vector<40x128xf32>
      %sub3A_438 = arith.subf %sub3A_423, %mul3A_437 : vector<40x128xf32>
      %mul3A_439 = vector.broadcast %div3A_383 : f32 to vector<40x128xf32>
      %mul3A_440 = arith.mulf %add3A_435, %mul3A_439 : vector<40x128xf32>
      %sub3A_441 = arith.subf %sub3A_425, %mul3A_440 : vector<40x128xf32>
      %mul3A_442 = vector.broadcast %div3A_384 : f32 to vector<40x128xf32>
      %mul3A_443 = arith.mulf %add3A_435, %mul3A_442 : vector<40x128xf32>
      %sub3A_444 = arith.subf %sub3A_427, %mul3A_443 : vector<40x128xf32>
      %mul3A_445 = arith.mulf %sub3A_438, %sub3A_438 : vector<40x128xf32>
      %mul3A_446 = arith.mulf %sub3A_441, %sub3A_441 : vector<40x128xf32>
      %add3A_447 = arith.addf %mul3A_445, %mul3A_446 : vector<40x128xf32>
      %mul3A_448 = arith.mulf %sub3A_444, %sub3A_444 : vector<40x128xf32>
      %add3A_449 = arith.addf %add3A_447, %mul3A_448 : vector<40x128xf32>
      %sqrt3A_450 = math.sqrt %add3A_449 : vector<40x128xf32>
      %abs3A = math.absf %add3A_435 : vector<40x128xf32>
      %div3A_451 = arith.constant 5.000000e-01 : f32
      %div3A_452 = vector.broadcast %div3A_451 : f32 to vector<40x128xf32>
      %div3A_453 = arith.divf %abs3A, %div3A_452 : vector<40x128xf32>
      %sub3A_454 = arith.constant 1.000000e+00 : f32
      %sub3A_455 = vector.broadcast %sub3A_454 : f32 to vector<40x128xf32>
      %sub3A_456 = arith.subf %sub3A_455, %div3A_453 : vector<40x128xf32>
      %max3A_457 = arith.constant 0.000000e+00 : f32
      %max3A_458 = vector.broadcast %max3A_457 : f32 to vector<40x128xf32>
      %max3A_459 = arith.maximumf %sub3A_456, %max3A_458 : vector<40x128xf32>
      %mul3A_460 = vector.broadcast %div3A_419 : f32 to vector<40x128xf32>
      %mul3A_461 = arith.mulf %sqrt3A_450, %mul3A_460 : vector<40x128xf32>
      %sub3A_462 = arith.constant 1.000000e+00 : f32
      %sub3A_463 = vector.broadcast %sub3A_462 : f32 to vector<40x128xf32>
      %sub3A_464 = arith.subf %sub3A_463, %mul3A_461 : vector<40x128xf32>
      %max3A_465 = arith.constant 0.000000e+00 : f32
      %max3A_466 = vector.broadcast %max3A_465 : f32 to vector<40x128xf32>
      %max3A_467 = arith.maximumf %sub3A_464, %max3A_466 : vector<40x128xf32>
      %mul3A_468 = arith.mulf %max3A_459, %max3A_467 : vector<40x128xf32>
      %mul3A_469 = arith.mulf %mul3A_468, %sub3A_423 : vector<40x128xf32>
      %integer_pow3A = arith.mulf %mul3A_469, %mul3A_469 : vector<40x128xf32>
      %mul3A_470 = arith.mulf %mul3A_468, %sub3A_425 : vector<40x128xf32>
      %integer_pow3A_471 = arith.mulf %mul3A_470, %mul3A_470 : vector<40x128xf32>
      %add3A_472 = arith.addf %integer_pow3A, %integer_pow3A_471 : vector<40x128xf32>
      %mul3A_473 = arith.mulf %mul3A_468, %sub3A_427 : vector<40x128xf32>
      %integer_pow3A_474 = arith.mulf %mul3A_473, %mul3A_473 : vector<40x128xf32>
      %add3A_475 = arith.addf %add3A_472, %integer_pow3A_474 : vector<40x128xf32>
      %add3A_476 = arith.addf %broadcast_in_dim3A_421, %add3A_475 : vector<40x128xf32>
      %sub3A_477 = vector.broadcast %div3A_352 : f32 to vector<40x128xf32>
      %sub3A_478 = arith.subf %get3A_47, %sub3A_477 : vector<40x128xf32>
      %sub3A_479 = vector.broadcast %div3A_356 : f32 to vector<40x128xf32>
      %sub3A_480 = arith.subf %get3A_52, %sub3A_479 : vector<40x128xf32>
      %sub3A_481 = vector.broadcast %div3A_360 : f32 to vector<40x128xf32>
      %sub3A_482 = arith.subf %get3A_57, %sub3A_481 : vector<40x128xf32>
      %mul3A_483 = vector.broadcast %div3A_382 : f32 to vector<40x128xf32>
      %mul3A_484 = arith.mulf %sub3A_478, %mul3A_483 : vector<40x128xf32>
      %mul3A_485 = vector.broadcast %div3A_383 : f32 to vector<40x128xf32>
      %mul3A_486 = arith.mulf %sub3A_480, %mul3A_485 : vector<40x128xf32>
      %add3A_487 = arith.addf %mul3A_484, %mul3A_486 : vector<40x128xf32>
      %mul3A_488 = vector.broadcast %div3A_384 : f32 to vector<40x128xf32>
      %mul3A_489 = arith.mulf %sub3A_482, %mul3A_488 : vector<40x128xf32>
      %add3A_490 = arith.addf %add3A_487, %mul3A_489 : vector<40x128xf32>
      %mul3A_491 = vector.broadcast %div3A_382 : f32 to vector<40x128xf32>
      %mul3A_492 = arith.mulf %add3A_490, %mul3A_491 : vector<40x128xf32>
      %sub3A_493 = arith.subf %sub3A_478, %mul3A_492 : vector<40x128xf32>
      %mul3A_494 = vector.broadcast %div3A_383 : f32 to vector<40x128xf32>
      %mul3A_495 = arith.mulf %add3A_490, %mul3A_494 : vector<40x128xf32>
      %sub3A_496 = arith.subf %sub3A_480, %mul3A_495 : vector<40x128xf32>
      %mul3A_497 = vector.broadcast %div3A_384 : f32 to vector<40x128xf32>
      %mul3A_498 = arith.mulf %add3A_490, %mul3A_497 : vector<40x128xf32>
      %sub3A_499 = arith.subf %sub3A_482, %mul3A_498 : vector<40x128xf32>
      %mul3A_500 = arith.mulf %sub3A_493, %sub3A_493 : vector<40x128xf32>
      %mul3A_501 = arith.mulf %sub3A_496, %sub3A_496 : vector<40x128xf32>
      %add3A_502 = arith.addf %mul3A_500, %mul3A_501 : vector<40x128xf32>
      %mul3A_503 = arith.mulf %sub3A_499, %sub3A_499 : vector<40x128xf32>
      %add3A_504 = arith.addf %add3A_502, %mul3A_503 : vector<40x128xf32>
      %sqrt3A_505 = math.sqrt %add3A_504 : vector<40x128xf32>
      %abs3A_506 = math.absf %add3A_490 : vector<40x128xf32>
      %div3A_507 = arith.constant 5.000000e-01 : f32
      %div3A_508 = vector.broadcast %div3A_507 : f32 to vector<40x128xf32>
      %div3A_509 = arith.divf %abs3A_506, %div3A_508 : vector<40x128xf32>
      %sub3A_510 = arith.constant 1.000000e+00 : f32
      %sub3A_511 = vector.broadcast %sub3A_510 : f32 to vector<40x128xf32>
      %sub3A_512 = arith.subf %sub3A_511, %div3A_509 : vector<40x128xf32>
      %max3A_513 = arith.constant 0.000000e+00 : f32
      %max3A_514 = vector.broadcast %max3A_513 : f32 to vector<40x128xf32>
      %max3A_515 = arith.maximumf %sub3A_512, %max3A_514 : vector<40x128xf32>
      %mul3A_516 = vector.broadcast %div3A_419 : f32 to vector<40x128xf32>
      %mul3A_517 = arith.mulf %sqrt3A_505, %mul3A_516 : vector<40x128xf32>
      %sub3A_518 = arith.constant 1.000000e+00 : f32
      %sub3A_519 = vector.broadcast %sub3A_518 : f32 to vector<40x128xf32>
      %sub3A_520 = arith.subf %sub3A_519, %mul3A_517 : vector<40x128xf32>
      %max3A_521 = arith.constant 0.000000e+00 : f32
      %max3A_522 = vector.broadcast %max3A_521 : f32 to vector<40x128xf32>
      %max3A_523 = arith.maximumf %sub3A_520, %max3A_522 : vector<40x128xf32>
      %mul3A_524 = arith.mulf %max3A_515, %max3A_523 : vector<40x128xf32>
      %mul3A_525 = arith.mulf %mul3A_524, %sub3A_478 : vector<40x128xf32>
      %integer_pow3A_526 = arith.mulf %mul3A_525, %mul3A_525 : vector<40x128xf32>
      %mul3A_527 = arith.mulf %mul3A_524, %sub3A_480 : vector<40x128xf32>
      %integer_pow3A_528 = arith.mulf %mul3A_527, %mul3A_527 : vector<40x128xf32>
      %add3A_529 = arith.addf %integer_pow3A_526, %integer_pow3A_528 : vector<40x128xf32>
      %mul3A_530 = arith.mulf %mul3A_524, %sub3A_482 : vector<40x128xf32>
      %integer_pow3A_531 = arith.mulf %mul3A_530, %mul3A_530 : vector<40x128xf32>
      %add3A_532 = arith.addf %add3A_529, %integer_pow3A_531 : vector<40x128xf32>
      %add3A_533 = arith.addf %add3A_476, %add3A_532 : vector<40x128xf32>
      %sub3A_534 = vector.broadcast %div3A_352 : f32 to vector<40x128xf32>
      %sub3A_535 = arith.subf %get3A_62, %sub3A_534 : vector<40x128xf32>
      %sub3A_536 = vector.broadcast %div3A_356 : f32 to vector<40x128xf32>
      %sub3A_537 = arith.subf %get3A_67, %sub3A_536 : vector<40x128xf32>
      %sub3A_538 = vector.broadcast %div3A_360 : f32 to vector<40x128xf32>
      %sub3A_539 = arith.subf %get3A_72, %sub3A_538 : vector<40x128xf32>
      %mul3A_540 = vector.broadcast %div3A_382 : f32 to vector<40x128xf32>
      %mul3A_541 = arith.mulf %sub3A_535, %mul3A_540 : vector<40x128xf32>
      %mul3A_542 = vector.broadcast %div3A_383 : f32 to vector<40x128xf32>
      %mul3A_543 = arith.mulf %sub3A_537, %mul3A_542 : vector<40x128xf32>
      %add3A_544 = arith.addf %mul3A_541, %mul3A_543 : vector<40x128xf32>
      %mul3A_545 = vector.broadcast %div3A_384 : f32 to vector<40x128xf32>
      %mul3A_546 = arith.mulf %sub3A_539, %mul3A_545 : vector<40x128xf32>
      %add3A_547 = arith.addf %add3A_544, %mul3A_546 : vector<40x128xf32>
      %mul3A_548 = vector.broadcast %div3A_382 : f32 to vector<40x128xf32>
      %mul3A_549 = arith.mulf %add3A_547, %mul3A_548 : vector<40x128xf32>
      %sub3A_550 = arith.subf %sub3A_535, %mul3A_549 : vector<40x128xf32>
      %mul3A_551 = vector.broadcast %div3A_383 : f32 to vector<40x128xf32>
      %mul3A_552 = arith.mulf %add3A_547, %mul3A_551 : vector<40x128xf32>
      %sub3A_553 = arith.subf %sub3A_537, %mul3A_552 : vector<40x128xf32>
      %mul3A_554 = vector.broadcast %div3A_384 : f32 to vector<40x128xf32>
      %mul3A_555 = arith.mulf %add3A_547, %mul3A_554 : vector<40x128xf32>
      %sub3A_556 = arith.subf %sub3A_539, %mul3A_555 : vector<40x128xf32>
      %mul3A_557 = arith.mulf %sub3A_550, %sub3A_550 : vector<40x128xf32>
      %mul3A_558 = arith.mulf %sub3A_553, %sub3A_553 : vector<40x128xf32>
      %add3A_559 = arith.addf %mul3A_557, %mul3A_558 : vector<40x128xf32>
      %mul3A_560 = arith.mulf %sub3A_556, %sub3A_556 : vector<40x128xf32>
      %add3A_561 = arith.addf %add3A_559, %mul3A_560 : vector<40x128xf32>
      %sqrt3A_562 = math.sqrt %add3A_561 : vector<40x128xf32>
      %abs3A_563 = math.absf %add3A_547 : vector<40x128xf32>
      %div3A_564 = arith.constant 5.000000e-01 : f32
      %div3A_565 = vector.broadcast %div3A_564 : f32 to vector<40x128xf32>
      %div3A_566 = arith.divf %abs3A_563, %div3A_565 : vector<40x128xf32>
      %sub3A_567 = arith.constant 1.000000e+00 : f32
      %sub3A_568 = vector.broadcast %sub3A_567 : f32 to vector<40x128xf32>
      %sub3A_569 = arith.subf %sub3A_568, %div3A_566 : vector<40x128xf32>
      %max3A_570 = arith.constant 0.000000e+00 : f32
      %max3A_571 = vector.broadcast %max3A_570 : f32 to vector<40x128xf32>
      %max3A_572 = arith.maximumf %sub3A_569, %max3A_571 : vector<40x128xf32>
      %mul3A_573 = vector.broadcast %div3A_419 : f32 to vector<40x128xf32>
      %mul3A_574 = arith.mulf %sqrt3A_562, %mul3A_573 : vector<40x128xf32>
      %sub3A_575 = arith.constant 1.000000e+00 : f32
      %sub3A_576 = vector.broadcast %sub3A_575 : f32 to vector<40x128xf32>
      %sub3A_577 = arith.subf %sub3A_576, %mul3A_574 : vector<40x128xf32>
      %max3A_578 = arith.constant 0.000000e+00 : f32
      %max3A_579 = vector.broadcast %max3A_578 : f32 to vector<40x128xf32>
      %max3A_580 = arith.maximumf %sub3A_577, %max3A_579 : vector<40x128xf32>
      %mul3A_581 = arith.mulf %max3A_572, %max3A_580 : vector<40x128xf32>
      %mul3A_582 = arith.mulf %mul3A_581, %sub3A_535 : vector<40x128xf32>
      %integer_pow3A_583 = arith.mulf %mul3A_582, %mul3A_582 : vector<40x128xf32>
      %mul3A_584 = arith.mulf %mul3A_581, %sub3A_537 : vector<40x128xf32>
      %integer_pow3A_585 = arith.mulf %mul3A_584, %mul3A_584 : vector<40x128xf32>
      %add3A_586 = arith.addf %integer_pow3A_583, %integer_pow3A_585 : vector<40x128xf32>
      %mul3A_587 = arith.mulf %mul3A_581, %sub3A_539 : vector<40x128xf32>
      %integer_pow3A_588 = arith.mulf %mul3A_587, %mul3A_587 : vector<40x128xf32>
      %add3A_589 = arith.addf %add3A_586, %integer_pow3A_588 : vector<40x128xf32>
      %add3A_590 = arith.addf %add3A_533, %add3A_589 : vector<40x128xf32>
      %dot_general3A = arith.constant dense<0.000000e+00> : vector<40x128xf32>
      %dot_general3A_591 = tpu.matmul %convert_element_type3A_343, %convert_element_type3A_7, %dot_general3A {dimension_numbers = #tpu.dot_dimension_numbers<[1], [0], [0], [1], [0, 0, 1, 1], [], []>, transpose_lhs_hint = false} : vector<40x128xf32>, vector<128x128xf32>, vector<40x128xf32> -> vector<40x128xf32>
      %dot_general3A_592 = arith.constant dense<0.000000e+00> : vector<40x128xf32>
      %dot_general3A_593 = tpu.matmul %convert_element_type3A_11, %dot_general3A_591, %dot_general3A_592 {dimension_numbers = #tpu.dot_dimension_numbers<[1], [0], [0], [1], [0, 0, 1, 1], [], []>, transpose_lhs_hint = false} : vector<40x40xf32>, vector<40x128xf32>, vector<40x128xf32> -> vector<40x128xf32>
      %slice3A = vector.extract_strided_slice %dot_general3A_593 {offsets = [0, 127], sizes = [40, 1], strides = [1, 1]} : vector<40x128xf32> to vector<40x1xf32>
      %add3A_594 = vector.broadcast %slice3A : vector<40x1xf32> to vector<40x128xf32>
      %add3A_595 = arith.addf %add3A_594, %dot_general3A_591 : vector<40x128xf32>
      %sub3A_596 = arith.constant 128 : i32
      %sub3A_597 = arith.subi %sub3A_596, %while3A_153 : i32
      %convert_element_type3A_598 = arith.sitofp %sub3A_597 : i32 to f32
      %le3A_599 = vector.broadcast %convert_element_type3A_598 : f32 to vector<40x128xf32>
      %le3A_600 = arith.cmpf ole, %add3A_595, %le3A_599 : vector<40x128xf32>
      %and3A_601 = arith.andi %and3A_341, %le3A_600 : vector<40x128xi1>
      %jit3A_602 = arith.constant 0.000000e+00 : f32
      %broadcast_in_dim3A_603 = vector.broadcast %jit3A_602 : f32 to vector<40x128xf32>
      %select_n3A_604 = arith.select %and3A_601, %add3A_590, %broadcast_in_dim3A_603 : vector<40x128xi1>, vector<40x128xf32>
      %reduce_sum3A_605 = vector.shape_cast %select_n3A_604 : vector<40x128xf32> to vector<1x40x128xf32>
      %reduce_sum3A_606 = arith.constant dense<0.000000e+00> : vector<1xf32>
      %reduce_sum3A_607 = vector.multi_reduction <add>, %reduce_sum3A_605, %reduce_sum3A_606 [1, 2] : vector<1x40x128xf32> to vector<1xf32>
      %reduce_sum3A_608 = vector.shape_cast %reduce_sum3A_607 : vector<1xf32> to vector<1x1x1xf32>
      %reduce_sum3A_609 = vector.extract %reduce_sum3A_608[0, 0, 0] : f32 from vector<1x1x1xf32>
      %add3A_610 = arith.addf %while3A_154, %reduce_sum3A_609 : f32
      %add3A_611 = arith.addi %while3A_153, %reduce_sum3A_349 : i32
      %min3A_612 = arith.constant 128 : i32
      %min3A_613 = arith.minsi %add3A_611, %min3A_612 : i32
      %add3A_614 = arith.constant 1 : i32
      %add3A_615 = arith.addi %while3A_152, %add3A_614 : i32
      scf.yield %add3A_615, %min3A_613, %add3A_610 : i32, i32, f32
    }
    %add3A_86 = arith.constant 0.000000e+00 : f32
    %add3A_87 = arith.addf %add3A_86, %while3A_85#2 : f32
    %get3A_88 = arith.constant 9 : index
    %get3A_89 = arith.constant 0 : index
    %get3A_90 = arith.constant 0 : index
    %get3A_91 = vector.load %arg0[%get3A_88, %get3A_89, %get3A_90] : memref<21x40x128xf32, #tpu.memory_space<vmem>>, vector<1x40x128xf32>
    %get3A_92 = vector.shape_cast %get3A_91 : vector<1x40x128xf32> to vector<40x128xf32>
    %get3A_93 = arith.constant 10 : index
    %get3A_94 = arith.constant 0 : index
    %get3A_95 = arith.constant 0 : index
    %get3A_96 = vector.load %arg0[%get3A_93, %get3A_94, %get3A_95] : memref<21x40x128xf32, #tpu.memory_space<vmem>>, vector<1x40x128xf32>
    %get3A_97 = vector.shape_cast %get3A_96 : vector<1x40x128xf32> to vector<40x128xf32>
    %get3A_98 = arith.constant 11 : index
    %get3A_99 = arith.constant 0 : index
    %get3A_100 = arith.constant 0 : index
    %get3A_101 = vector.load %arg0[%get3A_98, %get3A_99, %get3A_100] : memref<21x40x128xf32, #tpu.memory_space<vmem>>, vector<1x40x128xf32>
    %get3A_102 = vector.shape_cast %get3A_101 : vector<1x40x128xf32> to vector<40x128xf32>
    %get3A_103 = arith.constant 12 : index
    %get3A_104 = arith.constant 0 : index
    %get3A_105 = arith.constant 0 : index
    %get3A_106 = vector.load %arg0[%get3A_103, %get3A_104, %get3A_105] : memref<21x40x128xf32, #tpu.memory_space<vmem>>, vector<1x40x128xf32>
    %get3A_107 = vector.shape_cast %get3A_106 : vector<1x40x128xf32> to vector<40x128xf32>
    %get3A_108 = arith.constant 13 : index
    %get3A_109 = arith.constant 0 : index
    %get3A_110 = arith.constant 0 : index
    %get3A_111 = vector.load %arg0[%get3A_108, %get3A_109, %get3A_110] : memref<21x40x128xf32, #tpu.memory_space<vmem>>, vector<1x40x128xf32>
    %get3A_112 = vector.shape_cast %get3A_111 : vector<1x40x128xf32> to vector<40x128xf32>
    %get3A_113 = arith.constant 14 : index
    %get3A_114 = arith.constant 0 : index
    %get3A_115 = arith.constant 0 : index
    %get3A_116 = vector.load %arg0[%get3A_113, %get3A_114, %get3A_115] : memref<21x40x128xf32, #tpu.memory_space<vmem>>, vector<1x40x128xf32>
    %get3A_117 = vector.shape_cast %get3A_116 : vector<1x40x128xf32> to vector<40x128xf32>
    %get3A_118 = arith.constant 15 : index
    %get3A_119 = arith.constant 0 : index
    %get3A_120 = arith.constant 0 : index
    %get3A_121 = vector.load %arg0[%get3A_118, %get3A_119, %get3A_120] : memref<21x40x128xf32, #tpu.memory_space<vmem>>, vector<1x40x128xf32>
    %get3A_122 = vector.shape_cast %get3A_121 : vector<1x40x128xf32> to vector<40x128xf32>
    %get3A_123 = arith.constant 16 : index
    %get3A_124 = arith.constant 0 : index
    %get3A_125 = arith.constant 0 : index
    %get3A_126 = vector.load %arg0[%get3A_123, %get3A_124, %get3A_125] : memref<21x40x128xf32, #tpu.memory_space<vmem>>, vector<1x40x128xf32>
    %get3A_127 = vector.shape_cast %get3A_126 : vector<1x40x128xf32> to vector<40x128xf32>
    %get3A_128 = arith.constant 17 : index
    %get3A_129 = arith.constant 0 : index
    %get3A_130 = arith.constant 0 : index
    %get3A_131 = vector.load %arg0[%get3A_128, %get3A_129, %get3A_130] : memref<21x40x128xf32, #tpu.memory_space<vmem>>, vector<1x40x128xf32>
    %get3A_132 = vector.shape_cast %get3A_131 : vector<1x40x128xf32> to vector<40x128xf32>
    %min3A_133 = arith.minimumf %get3A_92, %get3A_107 : vector<40x128xf32>
    %min3A_134 = arith.minimumf %min3A_133, %get3A_122 : vector<40x128xf32>
    %min3A_135 = arith.minimumf %get3A_97, %get3A_112 : vector<40x128xf32>
    %min3A_136 = arith.minimumf %min3A_135, %get3A_127 : vector<40x128xf32>
    %min3A_137 = arith.minimumf %get3A_102, %get3A_117 : vector<40x128xf32>
    %min3A_138 = arith.minimumf %min3A_137, %get3A_132 : vector<40x128xf32>
    %max3A_139 = arith.maximumf %get3A_92, %get3A_107 : vector<40x128xf32>
    %max3A_140 = arith.maximumf %max3A_139, %get3A_122 : vector<40x128xf32>
    %max3A_141 = arith.maximumf %get3A_97, %get3A_112 : vector<40x128xf32>
    %max3A_142 = arith.maximumf %max3A_141, %get3A_127 : vector<40x128xf32>
    %max3A_143 = arith.maximumf %get3A_102, %get3A_117 : vector<40x128xf32>
    %max3A_144 = arith.maximumf %max3A_143, %get3A_132 : vector<40x128xf32>
    %while3A_145 = arith.constant 0 : i32
    %while3A_146 = arith.constant 0 : i32
    %while3A_147 = arith.constant 0.000000e+00 : f32
    %while3A_148:3 = scf.while (%while3A_152 = %while3A_145, %while3A_153 = %while3A_146, %while3A_154 = %while3A_147) : (i32, i32, f32) -> (i32, i32, f32) {
      %lt3A_155 = arith.constant 128 : i32
      %lt3A_156 = arith.cmpi slt, %while3A_153, %lt3A_155 : i32
      %lt3A_157 = arith.constant 5000 : i32
      %lt3A_158 = arith.cmpi slt, %while3A_152, %lt3A_157 : i32
      %and3A = arith.andi %lt3A_156, %lt3A_158 : i1
      scf.condition(%and3A) %while3A_152, %while3A_153, %while3A_154 : i32, i32, f32
    } do {
    ^bb0(%while3A_152: i32, %while3A_153: i32, %while3A_154: f32):
      %eq3A = vector.broadcast %while3A_152 : i32 to vector<40x128xi32>
      %eq3A_155 = arith.cmpi eq, %add3A, %eq3A : vector<40x128xi32>
      %jit3A = arith.constant 0.000000e+00 : f32
      %broadcast_in_dim3A = vector.broadcast %jit3A : f32 to vector<40x128xf32>
      %select_n3A = arith.select %eq3A_155, %get3A_92, %broadcast_in_dim3A : vector<40x128xi1>, vector<40x128xf32>
      %reduce_sum3A = vector.shape_cast %select_n3A : vector<40x128xf32> to vector<1x40x128xf32>
      %reduce_sum3A_156 = arith.constant dense<0.000000e+00> : vector<1xf32>
      %reduce_sum3A_157 = vector.multi_reduction <add>, %reduce_sum3A, %reduce_sum3A_156 [1, 2] : vector<1x40x128xf32> to vector<1xf32>
      %reduce_sum3A_158 = vector.shape_cast %reduce_sum3A_157 : vector<1xf32> to vector<1x1x1xf32>
      %reduce_sum3A_159 = vector.extract %reduce_sum3A_158[0, 0, 0] : f32 from vector<1x1x1xf32>
      %jit3A_160 = arith.constant 0.000000e+00 : f32
      %broadcast_in_dim3A_161 = vector.broadcast %jit3A_160 : f32 to vector<40x128xf32>
      %select_n3A_162 = arith.select %eq3A_155, %get3A_97, %broadcast_in_dim3A_161 : vector<40x128xi1>, vector<40x128xf32>
      %reduce_sum3A_163 = vector.shape_cast %select_n3A_162 : vector<40x128xf32> to vector<1x40x128xf32>
      %reduce_sum3A_164 = arith.constant dense<0.000000e+00> : vector<1xf32>
      %reduce_sum3A_165 = vector.multi_reduction <add>, %reduce_sum3A_163, %reduce_sum3A_164 [1, 2] : vector<1x40x128xf32> to vector<1xf32>
      %reduce_sum3A_166 = vector.shape_cast %reduce_sum3A_165 : vector<1xf32> to vector<1x1x1xf32>
      %reduce_sum3A_167 = vector.extract %reduce_sum3A_166[0, 0, 0] : f32 from vector<1x1x1xf32>
      %jit3A_168 = arith.constant 0.000000e+00 : f32
      %broadcast_in_dim3A_169 = vector.broadcast %jit3A_168 : f32 to vector<40x128xf32>
      %select_n3A_170 = arith.select %eq3A_155, %get3A_102, %broadcast_in_dim3A_169 : vector<40x128xi1>, vector<40x128xf32>
      %reduce_sum3A_171 = vector.shape_cast %select_n3A_170 : vector<40x128xf32> to vector<1x40x128xf32>
      %reduce_sum3A_172 = arith.constant dense<0.000000e+00> : vector<1xf32>
      %reduce_sum3A_173 = vector.multi_reduction <add>, %reduce_sum3A_171, %reduce_sum3A_172 [1, 2] : vector<1x40x128xf32> to vector<1xf32>
      %reduce_sum3A_174 = vector.shape_cast %reduce_sum3A_173 : vector<1xf32> to vector<1x1x1xf32>
      %reduce_sum3A_175 = vector.extract %reduce_sum3A_174[0, 0, 0] : f32 from vector<1x1x1xf32>
      %jit3A_176 = arith.constant 0.000000e+00 : f32
      %broadcast_in_dim3A_177 = vector.broadcast %jit3A_176 : f32 to vector<40x128xf32>
      %select_n3A_178 = arith.select %eq3A_155, %get3A_107, %broadcast_in_dim3A_177 : vector<40x128xi1>, vector<40x128xf32>
      %reduce_sum3A_179 = vector.shape_cast %select_n3A_178 : vector<40x128xf32> to vector<1x40x128xf32>
      %reduce_sum3A_180 = arith.constant dense<0.000000e+00> : vector<1xf32>
      %reduce_sum3A_181 = vector.multi_reduction <add>, %reduce_sum3A_179, %reduce_sum3A_180 [1, 2] : vector<1x40x128xf32> to vector<1xf32>
      %reduce_sum3A_182 = vector.shape_cast %reduce_sum3A_181 : vector<1xf32> to vector<1x1x1xf32>
      %reduce_sum3A_183 = vector.extract %reduce_sum3A_182[0, 0, 0] : f32 from vector<1x1x1xf32>
      %jit3A_184 = arith.constant 0.000000e+00 : f32
      %broadcast_in_dim3A_185 = vector.broadcast %jit3A_184 : f32 to vector<40x128xf32>
      %select_n3A_186 = arith.select %eq3A_155, %get3A_112, %broadcast_in_dim3A_185 : vector<40x128xi1>, vector<40x128xf32>
      %reduce_sum3A_187 = vector.shape_cast %select_n3A_186 : vector<40x128xf32> to vector<1x40x128xf32>
      %reduce_sum3A_188 = arith.constant dense<0.000000e+00> : vector<1xf32>
      %reduce_sum3A_189 = vector.multi_reduction <add>, %reduce_sum3A_187, %reduce_sum3A_188 [1, 2] : vector<1x40x128xf32> to vector<1xf32>
      %reduce_sum3A_190 = vector.shape_cast %reduce_sum3A_189 : vector<1xf32> to vector<1x1x1xf32>
      %reduce_sum3A_191 = vector.extract %reduce_sum3A_190[0, 0, 0] : f32 from vector<1x1x1xf32>
      %jit3A_192 = arith.constant 0.000000e+00 : f32
      %broadcast_in_dim3A_193 = vector.broadcast %jit3A_192 : f32 to vector<40x128xf32>
      %select_n3A_194 = arith.select %eq3A_155, %get3A_117, %broadcast_in_dim3A_193 : vector<40x128xi1>, vector<40x128xf32>
      %reduce_sum3A_195 = vector.shape_cast %select_n3A_194 : vector<40x128xf32> to vector<1x40x128xf32>
      %reduce_sum3A_196 = arith.constant dense<0.000000e+00> : vector<1xf32>
      %reduce_sum3A_197 = vector.multi_reduction <add>, %reduce_sum3A_195, %reduce_sum3A_196 [1, 2] : vector<1x40x128xf32> to vector<1xf32>
      %reduce_sum3A_198 = vector.shape_cast %reduce_sum3A_197 : vector<1xf32> to vector<1x1x1xf32>
      %reduce_sum3A_199 = vector.extract %reduce_sum3A_198[0, 0, 0] : f32 from vector<1x1x1xf32>
      %jit3A_200 = arith.constant 0.000000e+00 : f32
      %broadcast_in_dim3A_201 = vector.broadcast %jit3A_200 : f32 to vector<40x128xf32>
      %select_n3A_202 = arith.select %eq3A_155, %get3A_122, %broadcast_in_dim3A_201 : vector<40x128xi1>, vector<40x128xf32>
      %reduce_sum3A_203 = vector.shape_cast %select_n3A_202 : vector<40x128xf32> to vector<1x40x128xf32>
      %reduce_sum3A_204 = arith.constant dense<0.000000e+00> : vector<1xf32>
      %reduce_sum3A_205 = vector.multi_reduction <add>, %reduce_sum3A_203, %reduce_sum3A_204 [1, 2] : vector<1x40x128xf32> to vector<1xf32>
      %reduce_sum3A_206 = vector.shape_cast %reduce_sum3A_205 : vector<1xf32> to vector<1x1x1xf32>
      %reduce_sum3A_207 = vector.extract %reduce_sum3A_206[0, 0, 0] : f32 from vector<1x1x1xf32>
      %jit3A_208 = arith.constant 0.000000e+00 : f32
      %broadcast_in_dim3A_209 = vector.broadcast %jit3A_208 : f32 to vector<40x128xf32>
      %select_n3A_210 = arith.select %eq3A_155, %get3A_127, %broadcast_in_dim3A_209 : vector<40x128xi1>, vector<40x128xf32>
      %reduce_sum3A_211 = vector.shape_cast %select_n3A_210 : vector<40x128xf32> to vector<1x40x128xf32>
      %reduce_sum3A_212 = arith.constant dense<0.000000e+00> : vector<1xf32>
      %reduce_sum3A_213 = vector.multi_reduction <add>, %reduce_sum3A_211, %reduce_sum3A_212 [1, 2] : vector<1x40x128xf32> to vector<1xf32>
      %reduce_sum3A_214 = vector.shape_cast %reduce_sum3A_213 : vector<1xf32> to vector<1x1x1xf32>
      %reduce_sum3A_215 = vector.extract %reduce_sum3A_214[0, 0, 0] : f32 from vector<1x1x1xf32>
      %jit3A_216 = arith.constant 0.000000e+00 : f32
      %broadcast_in_dim3A_217 = vector.broadcast %jit3A_216 : f32 to vector<40x128xf32>
      %select_n3A_218 = arith.select %eq3A_155, %get3A_132, %broadcast_in_dim3A_217 : vector<40x128xi1>, vector<40x128xf32>
      %reduce_sum3A_219 = vector.shape_cast %select_n3A_218 : vector<40x128xf32> to vector<1x40x128xf32>
      %reduce_sum3A_220 = arith.constant dense<0.000000e+00> : vector<1xf32>
      %reduce_sum3A_221 = vector.multi_reduction <add>, %reduce_sum3A_219, %reduce_sum3A_220 [1, 2] : vector<1x40x128xf32> to vector<1xf32>
      %reduce_sum3A_222 = vector.shape_cast %reduce_sum3A_221 : vector<1xf32> to vector<1x1x1xf32>
      %reduce_sum3A_223 = vector.extract %reduce_sum3A_222[0, 0, 0] : f32 from vector<1x1x1xf32>
      %jit3A_224 = arith.constant 0.000000e+00 : f32
      %broadcast_in_dim3A_225 = vector.broadcast %jit3A_224 : f32 to vector<40x128xf32>
      %select_n3A_226 = arith.select %eq3A_155, %min3A_134, %broadcast_in_dim3A_225 : vector<40x128xi1>, vector<40x128xf32>
      %reduce_sum3A_227 = vector.shape_cast %select_n3A_226 : vector<40x128xf32> to vector<1x40x128xf32>
      %reduce_sum3A_228 = arith.constant dense<0.000000e+00> : vector<1xf32>
      %reduce_sum3A_229 = vector.multi_reduction <add>, %reduce_sum3A_227, %reduce_sum3A_228 [1, 2] : vector<1x40x128xf32> to vector<1xf32>
      %reduce_sum3A_230 = vector.shape_cast %reduce_sum3A_229 : vector<1xf32> to vector<1x1x1xf32>
      %reduce_sum3A_231 = vector.extract %reduce_sum3A_230[0, 0, 0] : f32 from vector<1x1x1xf32>
      %jit3A_232 = arith.constant 0.000000e+00 : f32
      %broadcast_in_dim3A_233 = vector.broadcast %jit3A_232 : f32 to vector<40x128xf32>
      %select_n3A_234 = arith.select %eq3A_155, %min3A_136, %broadcast_in_dim3A_233 : vector<40x128xi1>, vector<40x128xf32>
      %reduce_sum3A_235 = vector.shape_cast %select_n3A_234 : vector<40x128xf32> to vector<1x40x128xf32>
      %reduce_sum3A_236 = arith.constant dense<0.000000e+00> : vector<1xf32>
      %reduce_sum3A_237 = vector.multi_reduction <add>, %reduce_sum3A_235, %reduce_sum3A_236 [1, 2] : vector<1x40x128xf32> to vector<1xf32>
      %reduce_sum3A_238 = vector.shape_cast %reduce_sum3A_237 : vector<1xf32> to vector<1x1x1xf32>
      %reduce_sum3A_239 = vector.extract %reduce_sum3A_238[0, 0, 0] : f32 from vector<1x1x1xf32>
      %jit3A_240 = arith.constant 0.000000e+00 : f32
      %broadcast_in_dim3A_241 = vector.broadcast %jit3A_240 : f32 to vector<40x128xf32>
      %select_n3A_242 = arith.select %eq3A_155, %min3A_138, %broadcast_in_dim3A_241 : vector<40x128xi1>, vector<40x128xf32>
      %reduce_sum3A_243 = vector.shape_cast %select_n3A_242 : vector<40x128xf32> to vector<1x40x128xf32>
      %reduce_sum3A_244 = arith.constant dense<0.000000e+00> : vector<1xf32>
      %reduce_sum3A_245 = vector.multi_reduction <add>, %reduce_sum3A_243, %reduce_sum3A_244 [1, 2] : vector<1x40x128xf32> to vector<1xf32>
      %reduce_sum3A_246 = vector.shape_cast %reduce_sum3A_245 : vector<1xf32> to vector<1x1x1xf32>
      %reduce_sum3A_247 = vector.extract %reduce_sum3A_246[0, 0, 0] : f32 from vector<1x1x1xf32>
      %jit3A_248 = arith.constant 0.000000e+00 : f32
      %broadcast_in_dim3A_249 = vector.broadcast %jit3A_248 : f32 to vector<40x128xf32>
      %select_n3A_250 = arith.select %eq3A_155, %max3A_140, %broadcast_in_dim3A_249 : vector<40x128xi1>, vector<40x128xf32>
      %reduce_sum3A_251 = vector.shape_cast %select_n3A_250 : vector<40x128xf32> to vector<1x40x128xf32>
      %reduce_sum3A_252 = arith.constant dense<0.000000e+00> : vector<1xf32>
      %reduce_sum3A_253 = vector.multi_reduction <add>, %reduce_sum3A_251, %reduce_sum3A_252 [1, 2] : vector<1x40x128xf32> to vector<1xf32>
      %reduce_sum3A_254 = vector.shape_cast %reduce_sum3A_253 : vector<1xf32> to vector<1x1x1xf32>
      %reduce_sum3A_255 = vector.extract %reduce_sum3A_254[0, 0, 0] : f32 from vector<1x1x1xf32>
      %jit3A_256 = arith.constant 0.000000e+00 : f32
      %broadcast_in_dim3A_257 = vector.broadcast %jit3A_256 : f32 to vector<40x128xf32>
      %select_n3A_258 = arith.select %eq3A_155, %max3A_142, %broadcast_in_dim3A_257 : vector<40x128xi1>, vector<40x128xf32>
      %reduce_sum3A_259 = vector.shape_cast %select_n3A_258 : vector<40x128xf32> to vector<1x40x128xf32>
      %reduce_sum3A_260 = arith.constant dense<0.000000e+00> : vector<1xf32>
      %reduce_sum3A_261 = vector.multi_reduction <add>, %reduce_sum3A_259, %reduce_sum3A_260 [1, 2] : vector<1x40x128xf32> to vector<1xf32>
      %reduce_sum3A_262 = vector.shape_cast %reduce_sum3A_261 : vector<1xf32> to vector<1x1x1xf32>
      %reduce_sum3A_263 = vector.extract %reduce_sum3A_262[0, 0, 0] : f32 from vector<1x1x1xf32>
      %jit3A_264 = arith.constant 0.000000e+00 : f32
      %broadcast_in_dim3A_265 = vector.broadcast %jit3A_264 : f32 to vector<40x128xf32>
      %select_n3A_266 = arith.select %eq3A_155, %max3A_144, %broadcast_in_dim3A_265 : vector<40x128xi1>, vector<40x128xf32>
      %reduce_sum3A_267 = vector.shape_cast %select_n3A_266 : vector<40x128xf32> to vector<1x40x128xf32>
      %reduce_sum3A_268 = arith.constant dense<0.000000e+00> : vector<1xf32>
      %reduce_sum3A_269 = vector.multi_reduction <add>, %reduce_sum3A_267, %reduce_sum3A_268 [1, 2] : vector<1x40x128xf32> to vector<1xf32>
      %reduce_sum3A_270 = vector.shape_cast %reduce_sum3A_269 : vector<1xf32> to vector<1x1x1xf32>
      %reduce_sum3A_271 = vector.extract %reduce_sum3A_270[0, 0, 0] : f32 from vector<1x1x1xf32>
      %jit3A_272 = arith.constant 0 : i32
      %broadcast_in_dim3A_273 = vector.broadcast %jit3A_272 : i32 to vector<40x128xi32>
      %select_n3A_274 = arith.select %eq3A_155, %bitcast_convert_type3A, %broadcast_in_dim3A_273 : vector<40x128xi1>, vector<40x128xi32>
      %reduce_sum3A_275 = vector.shape_cast %select_n3A_274 : vector<40x128xi32> to vector<1x40x128xi32>
      %reduce_sum3A_276 = arith.constant dense<0> : vector<1xi32>
      %reduce_sum3A_277 = vector.multi_reduction <add>, %reduce_sum3A_275, %reduce_sum3A_276 [1, 2] : vector<1x40x128xi32> to vector<1xi32>
      %reduce_sum3A_278 = vector.shape_cast %reduce_sum3A_277 : vector<1xi32> to vector<1x1x1xi32>
      %reduce_sum3A_279 = vector.extract %reduce_sum3A_278[0, 0, 0] : i32 from vector<1x1x1xi32>
      %jit3A_280 = arith.constant 0 : i32
      %broadcast_in_dim3A_281 = vector.broadcast %jit3A_280 : i32 to vector<40x128xi32>
      %select_n3A_282 = arith.select %eq3A_155, %bitcast_convert_type3A_21, %broadcast_in_dim3A_281 : vector<40x128xi1>, vector<40x128xi32>
      %reduce_sum3A_283 = vector.shape_cast %select_n3A_282 : vector<40x128xi32> to vector<1x40x128xi32>
      %reduce_sum3A_284 = arith.constant dense<0> : vector<1xi32>
      %reduce_sum3A_285 = vector.multi_reduction <add>, %reduce_sum3A_283, %reduce_sum3A_284 [1, 2] : vector<1x40x128xi32> to vector<1xi32>
      %reduce_sum3A_286 = vector.shape_cast %reduce_sum3A_285 : vector<1xi32> to vector<1x1x1xi32>
      %reduce_sum3A_287 = vector.extract %reduce_sum3A_286[0, 0, 0] : i32 from vector<1x1x1xi32>
      %jit3A_288 = arith.constant 0 : i32
      %broadcast_in_dim3A_289 = vector.broadcast %jit3A_288 : i32 to vector<40x128xi32>
      %select_n3A_290 = arith.select %eq3A_155, %bitcast_convert_type3A_27, %broadcast_in_dim3A_289 : vector<40x128xi1>, vector<40x128xi32>
      %reduce_sum3A_291 = vector.shape_cast %select_n3A_290 : vector<40x128xi32> to vector<1x40x128xi32>
      %reduce_sum3A_292 = arith.constant dense<0> : vector<1xi32>
      %reduce_sum3A_293 = vector.multi_reduction <add>, %reduce_sum3A_291, %reduce_sum3A_292 [1, 2] : vector<1x40x128xi32> to vector<1xi32>
      %reduce_sum3A_294 = vector.shape_cast %reduce_sum3A_293 : vector<1xi32> to vector<1x1x1xi32>
      %reduce_sum3A_295 = vector.extract %reduce_sum3A_294[0, 0, 0] : i32 from vector<1x1x1xi32>
      %gt3A_296 = vector.broadcast %while3A_152 : i32 to vector<40x128xi32>
      %gt3A_297 = arith.cmpi sgt, %add3A, %gt3A_296 : vector<40x128xi32>
      %and3A = arith.andi %lt3A_4, %gt3A_297 : vector<40x128xi1>
      %le3A_298 = vector.broadcast %reduce_sum3A_231 : f32 to vector<40x128xf32>
      %le3A_299 = arith.cmpf ole, %le3A_298, %max3A_140 : vector<40x128xf32>
      %and3A_300 = arith.andi %and3A, %le3A_299 : vector<40x128xi1>
      %ge3A = vector.broadcast %reduce_sum3A_255 : f32 to vector<40x128xf32>
      %ge3A_301 = arith.cmpf oge, %ge3A, %min3A_134 : vector<40x128xf32>
      %and3A_302 = arith.andi %and3A_300, %ge3A_301 : vector<40x128xi1>
      %le3A_303 = vector.broadcast %reduce_sum3A_239 : f32 to vector<40x128xf32>
      %le3A_304 = arith.cmpf ole, %le3A_303, %max3A_142 : vector<40x128xf32>
      %and3A_305 = arith.andi %and3A_302, %le3A_304 : vector<40x128xi1>
      %ge3A_306 = vector.broadcast %reduce_sum3A_263 : f32 to vector<40x128xf32>
      %ge3A_307 = arith.cmpf oge, %ge3A_306, %min3A_136 : vector<40x128xf32>
      %and3A_308 = arith.andi %and3A_305, %ge3A_307 : vector<40x128xi1>
      %le3A_309 = vector.broadcast %reduce_sum3A_247 : f32 to vector<40x128xf32>
      %le3A_310 = arith.cmpf ole, %le3A_309, %max3A_144 : vector<40x128xf32>
      %and3A_311 = arith.andi %and3A_308, %le3A_310 : vector<40x128xi1>
      %ge3A_312 = vector.broadcast %reduce_sum3A_271 : f32 to vector<40x128xf32>
      %ge3A_313 = arith.cmpf oge, %ge3A_312, %min3A_138 : vector<40x128xf32>
      %and3A_314 = arith.andi %and3A_311, %ge3A_313 : vector<40x128xi1>
      %eq3A_315 = vector.broadcast %reduce_sum3A_279 : i32 to vector<40x128xi32>
      %eq3A_316 = arith.cmpi eq, %bitcast_convert_type3A, %eq3A_315 : vector<40x128xi32>
      %eq3A_317 = vector.broadcast %reduce_sum3A_279 : i32 to vector<40x128xi32>
      %eq3A_318 = arith.cmpi eq, %bitcast_convert_type3A_21, %eq3A_317 : vector<40x128xi32>
      %or3A = arith.ori %eq3A_316, %eq3A_318 : vector<40x128xi1>
      %eq3A_319 = vector.broadcast %reduce_sum3A_279 : i32 to vector<40x128xi32>
      %eq3A_320 = arith.cmpi eq, %bitcast_convert_type3A_27, %eq3A_319 : vector<40x128xi32>
      %or3A_321 = arith.ori %or3A, %eq3A_320 : vector<40x128xi1>
      %eq3A_322 = vector.broadcast %reduce_sum3A_287 : i32 to vector<40x128xi32>
      %eq3A_323 = arith.cmpi eq, %bitcast_convert_type3A, %eq3A_322 : vector<40x128xi32>
      %or3A_324 = arith.ori %or3A_321, %eq3A_323 : vector<40x128xi1>
      %eq3A_325 = vector.broadcast %reduce_sum3A_287 : i32 to vector<40x128xi32>
      %eq3A_326 = arith.cmpi eq, %bitcast_convert_type3A_21, %eq3A_325 : vector<40x128xi32>
      %or3A_327 = arith.ori %or3A_324, %eq3A_326 : vector<40x128xi1>
      %eq3A_328 = vector.broadcast %reduce_sum3A_287 : i32 to vector<40x128xi32>
      %eq3A_329 = arith.cmpi eq, %bitcast_convert_type3A_27, %eq3A_328 : vector<40x128xi32>
      %or3A_330 = arith.ori %or3A_327, %eq3A_329 : vector<40x128xi1>
      %eq3A_331 = vector.broadcast %reduce_sum3A_295 : i32 to vector<40x128xi32>
      %eq3A_332 = arith.cmpi eq, %bitcast_convert_type3A, %eq3A_331 : vector<40x128xi32>
      %or3A_333 = arith.ori %or3A_330, %eq3A_332 : vector<40x128xi1>
      %eq3A_334 = vector.broadcast %reduce_sum3A_295 : i32 to vector<40x128xi32>
      %eq3A_335 = arith.cmpi eq, %bitcast_convert_type3A_21, %eq3A_334 : vector<40x128xi32>
      %or3A_336 = arith.ori %or3A_333, %eq3A_335 : vector<40x128xi1>
      %eq3A_337 = vector.broadcast %reduce_sum3A_295 : i32 to vector<40x128xi32>
      %eq3A_338 = arith.cmpi eq, %bitcast_convert_type3A_27, %eq3A_337 : vector<40x128xi32>
      %or3A_339 = arith.ori %or3A_336, %eq3A_338 : vector<40x128xi1>
      %not3A = arith.constant dense<true> : vector<40x128xi1>
      %not3A_340 = arith.xori %or3A_339, %not3A : vector<40x128xi1>
      %and3A_341 = arith.andi %and3A_314, %not3A_340 : vector<40x128xi1>
      %convert_element_type3A_342 = arith.extui %and3A_341 : vector<40x128xi1> to vector<40x128xi32>
      %convert_element_type3A_343 = arith.sitofp %convert_element_type3A_342 : vector<40x128xi32> to vector<40x128xf32>
      %convert_element_type3A_344 = arith.extui %and3A_341 : vector<40x128xi1> to vector<40x128xi32>
      %reduce_sum3A_345 = vector.shape_cast %convert_element_type3A_344 : vector<40x128xi32> to vector<1x40x128xi32>
      %reduce_sum3A_346 = arith.constant dense<0> : vector<1xi32>
      %reduce_sum3A_347 = vector.multi_reduction <add>, %reduce_sum3A_345, %reduce_sum3A_346 [1, 2] : vector<1x40x128xi32> to vector<1xi32>
      %reduce_sum3A_348 = vector.shape_cast %reduce_sum3A_347 : vector<1xi32> to vector<1x1x1xi32>
      %reduce_sum3A_349 = vector.extract %reduce_sum3A_348[0, 0, 0] : i32 from vector<1x1x1xi32>
      %add3A_350 = arith.addf %reduce_sum3A_159, %reduce_sum3A_183 : f32
      %add3A_351 = arith.addf %add3A_350, %reduce_sum3A_207 : f32
      %div3A = arith.constant 3.000000e+00 : f32
      %div3A_352 = arith.divf %add3A_351, %div3A : f32
      %add3A_353 = arith.addf %reduce_sum3A_167, %reduce_sum3A_191 : f32
      %add3A_354 = arith.addf %add3A_353, %reduce_sum3A_215 : f32
      %div3A_355 = arith.constant 3.000000e+00 : f32
      %div3A_356 = arith.divf %add3A_354, %div3A_355 : f32
      %add3A_357 = arith.addf %reduce_sum3A_175, %reduce_sum3A_199 : f32
      %add3A_358 = arith.addf %add3A_357, %reduce_sum3A_223 : f32
      %div3A_359 = arith.constant 3.000000e+00 : f32
      %div3A_360 = arith.divf %add3A_358, %div3A_359 : f32
      %sub3A = arith.subf %reduce_sum3A_183, %reduce_sum3A_159 : f32
      %sub3A_361 = arith.subf %reduce_sum3A_191, %reduce_sum3A_167 : f32
      %sub3A_362 = arith.subf %reduce_sum3A_199, %reduce_sum3A_175 : f32
      %sub3A_363 = arith.subf %reduce_sum3A_207, %reduce_sum3A_159 : f32
      %sub3A_364 = arith.subf %reduce_sum3A_215, %reduce_sum3A_167 : f32
      %sub3A_365 = arith.subf %reduce_sum3A_223, %reduce_sum3A_175 : f32
      %mul3A_366 = arith.mulf %sub3A_361, %sub3A_365 : f32
      %mul3A_367 = arith.mulf %sub3A_362, %sub3A_364 : f32
      %sub3A_368 = arith.subf %mul3A_366, %mul3A_367 : f32
      %mul3A_369 = arith.mulf %sub3A_362, %sub3A_363 : f32
      %mul3A_370 = arith.mulf %sub3A, %sub3A_365 : f32
      %sub3A_371 = arith.subf %mul3A_369, %mul3A_370 : f32
      %mul3A_372 = arith.mulf %sub3A, %sub3A_364 : f32
      %mul3A_373 = arith.mulf %sub3A_361, %sub3A_363 : f32
      %sub3A_374 = arith.subf %mul3A_372, %mul3A_373 : f32
      %mul3A_375 = arith.mulf %sub3A_368, %sub3A_368 : f32
      %mul3A_376 = arith.mulf %sub3A_371, %sub3A_371 : f32
      %add3A_377 = arith.addf %mul3A_375, %mul3A_376 : f32
      %mul3A_378 = arith.mulf %sub3A_374, %sub3A_374 : f32
      %add3A_379 = arith.addf %add3A_377, %mul3A_378 : f32
      %sqrt3A = math.sqrt %add3A_379 : f32
      %add3A_380 = arith.constant 9.99999971E-10 : f32
      %add3A_381 = arith.addf %sqrt3A, %add3A_380 : f32
      %div3A_382 = arith.divf %sub3A_368, %add3A_381 : f32
      %div3A_383 = arith.divf %sub3A_371, %add3A_381 : f32
      %div3A_384 = arith.divf %sub3A_374, %add3A_381 : f32
      %sub3A_385 = arith.subf %reduce_sum3A_159, %div3A_352 : f32
      %sub3A_386 = arith.subf %reduce_sum3A_167, %div3A_356 : f32
      %sub3A_387 = arith.subf %reduce_sum3A_175, %div3A_360 : f32
      %mul3A_388 = arith.mulf %sub3A_385, %sub3A_385 : f32
      %mul3A_389 = arith.mulf %sub3A_386, %sub3A_386 : f32
      %add3A_390 = arith.addf %mul3A_388, %mul3A_389 : f32
      %mul3A_391 = arith.mulf %sub3A_387, %sub3A_387 : f32
      %add3A_392 = arith.addf %add3A_390, %mul3A_391 : f32
      %sqrt3A_393 = math.sqrt %add3A_392 : f32
      %max3A_394 = arith.constant 0.000000e+00 : f32
      %max3A_395 = arith.maximumf %max3A_394, %sqrt3A_393 : f32
      %sub3A_396 = arith.subf %reduce_sum3A_183, %div3A_352 : f32
      %sub3A_397 = arith.subf %reduce_sum3A_191, %div3A_356 : f32
      %sub3A_398 = arith.subf %reduce_sum3A_199, %div3A_360 : f32
      %mul3A_399 = arith.mulf %sub3A_396, %sub3A_396 : f32
      %mul3A_400 = arith.mulf %sub3A_397, %sub3A_397 : f32
      %add3A_401 = arith.addf %mul3A_399, %mul3A_400 : f32
      %mul3A_402 = arith.mulf %sub3A_398, %sub3A_398 : f32
      %add3A_403 = arith.addf %add3A_401, %mul3A_402 : f32
      %sqrt3A_404 = math.sqrt %add3A_403 : f32
      %max3A_405 = arith.maximumf %max3A_395, %sqrt3A_404 : f32
      %sub3A_406 = arith.subf %reduce_sum3A_207, %div3A_352 : f32
      %sub3A_407 = arith.subf %reduce_sum3A_215, %div3A_356 : f32
      %sub3A_408 = arith.subf %reduce_sum3A_223, %div3A_360 : f32
      %mul3A_409 = arith.mulf %sub3A_406, %sub3A_406 : f32
      %mul3A_410 = arith.mulf %sub3A_407, %sub3A_407 : f32
      %add3A_411 = arith.addf %mul3A_409, %mul3A_410 : f32
      %mul3A_412 = arith.mulf %sub3A_408, %sub3A_408 : f32
      %add3A_413 = arith.addf %add3A_411, %mul3A_412 : f32
      %sqrt3A_414 = math.sqrt %add3A_413 : f32
      %max3A_415 = arith.maximumf %max3A_405, %sqrt3A_414 : f32
      %add3A_416 = arith.constant 9.99999971E-10 : f32
      %add3A_417 = arith.addf %max3A_415, %add3A_416 : f32
      %div3A_418 = arith.constant 1.000000e+00 : f32
      %div3A_419 = arith.divf %div3A_418, %add3A_417 : f32
      %broadcast_in_dim3A_420 = arith.constant 0.000000e+00 : f32
      %broadcast_in_dim3A_421 = vector.broadcast %broadcast_in_dim3A_420 : f32 to vector<40x128xf32>
      %sub3A_422 = vector.broadcast %div3A_352 : f32 to vector<40x128xf32>
      %sub3A_423 = arith.subf %get3A_92, %sub3A_422 : vector<40x128xf32>
      %sub3A_424 = vector.broadcast %div3A_356 : f32 to vector<40x128xf32>
      %sub3A_425 = arith.subf %get3A_97, %sub3A_424 : vector<40x128xf32>
      %sub3A_426 = vector.broadcast %div3A_360 : f32 to vector<40x128xf32>
      %sub3A_427 = arith.subf %get3A_102, %sub3A_426 : vector<40x128xf32>
      %mul3A_428 = vector.broadcast %div3A_382 : f32 to vector<40x128xf32>
      %mul3A_429 = arith.mulf %sub3A_423, %mul3A_428 : vector<40x128xf32>
      %mul3A_430 = vector.broadcast %div3A_383 : f32 to vector<40x128xf32>
      %mul3A_431 = arith.mulf %sub3A_425, %mul3A_430 : vector<40x128xf32>
      %add3A_432 = arith.addf %mul3A_429, %mul3A_431 : vector<40x128xf32>
      %mul3A_433 = vector.broadcast %div3A_384 : f32 to vector<40x128xf32>
      %mul3A_434 = arith.mulf %sub3A_427, %mul3A_433 : vector<40x128xf32>
      %add3A_435 = arith.addf %add3A_432, %mul3A_434 : vector<40x128xf32>
      %mul3A_436 = vector.broadcast %div3A_382 : f32 to vector<40x128xf32>
      %mul3A_437 = arith.mulf %add3A_435, %mul3A_436 : vector<40x128xf32>
      %sub3A_438 = arith.subf %sub3A_423, %mul3A_437 : vector<40x128xf32>
      %mul3A_439 = vector.broadcast %div3A_383 : f32 to vector<40x128xf32>
      %mul3A_440 = arith.mulf %add3A_435, %mul3A_439 : vector<40x128xf32>
      %sub3A_441 = arith.subf %sub3A_425, %mul3A_440 : vector<40x128xf32>
      %mul3A_442 = vector.broadcast %div3A_384 : f32 to vector<40x128xf32>
      %mul3A_443 = arith.mulf %add3A_435, %mul3A_442 : vector<40x128xf32>
      %sub3A_444 = arith.subf %sub3A_427, %mul3A_443 : vector<40x128xf32>
      %mul3A_445 = arith.mulf %sub3A_438, %sub3A_438 : vector<40x128xf32>
      %mul3A_446 = arith.mulf %sub3A_441, %sub3A_441 : vector<40x128xf32>
      %add3A_447 = arith.addf %mul3A_445, %mul3A_446 : vector<40x128xf32>
      %mul3A_448 = arith.mulf %sub3A_444, %sub3A_444 : vector<40x128xf32>
      %add3A_449 = arith.addf %add3A_447, %mul3A_448 : vector<40x128xf32>
      %sqrt3A_450 = math.sqrt %add3A_449 : vector<40x128xf32>
      %abs3A = math.absf %add3A_435 : vector<40x128xf32>
      %div3A_451 = arith.constant 5.000000e-01 : f32
      %div3A_452 = vector.broadcast %div3A_451 : f32 to vector<40x128xf32>
      %div3A_453 = arith.divf %abs3A, %div3A_452 : vector<40x128xf32>
      %sub3A_454 = arith.constant 1.000000e+00 : f32
      %sub3A_455 = vector.broadcast %sub3A_454 : f32 to vector<40x128xf32>
      %sub3A_456 = arith.subf %sub3A_455, %div3A_453 : vector<40x128xf32>
      %max3A_457 = arith.constant 0.000000e+00 : f32
      %max3A_458 = vector.broadcast %max3A_457 : f32 to vector<40x128xf32>
      %max3A_459 = arith.maximumf %sub3A_456, %max3A_458 : vector<40x128xf32>
      %mul3A_460 = vector.broadcast %div3A_419 : f32 to vector<40x128xf32>
      %mul3A_461 = arith.mulf %sqrt3A_450, %mul3A_460 : vector<40x128xf32>
      %sub3A_462 = arith.constant 1.000000e+00 : f32
      %sub3A_463 = vector.broadcast %sub3A_462 : f32 to vector<40x128xf32>
      %sub3A_464 = arith.subf %sub3A_463, %mul3A_461 : vector<40x128xf32>
      %max3A_465 = arith.constant 0.000000e+00 : f32
      %max3A_466 = vector.broadcast %max3A_465 : f32 to vector<40x128xf32>
      %max3A_467 = arith.maximumf %sub3A_464, %max3A_466 : vector<40x128xf32>
      %mul3A_468 = arith.mulf %max3A_459, %max3A_467 : vector<40x128xf32>
      %mul3A_469 = arith.mulf %mul3A_468, %sub3A_423 : vector<40x128xf32>
      %integer_pow3A = arith.mulf %mul3A_469, %mul3A_469 : vector<40x128xf32>
      %mul3A_470 = arith.mulf %mul3A_468, %sub3A_425 : vector<40x128xf32>
      %integer_pow3A_471 = arith.mulf %mul3A_470, %mul3A_470 : vector<40x128xf32>
      %add3A_472 = arith.addf %integer_pow3A, %integer_pow3A_471 : vector<40x128xf32>
      %mul3A_473 = arith.mulf %mul3A_468, %sub3A_427 : vector<40x128xf32>
      %integer_pow3A_474 = arith.mulf %mul3A_473, %mul3A_473 : vector<40x128xf32>
      %add3A_475 = arith.addf %add3A_472, %integer_pow3A_474 : vector<40x128xf32>
      %add3A_476 = arith.addf %broadcast_in_dim3A_421, %add3A_475 : vector<40x128xf32>
      %sub3A_477 = vector.broadcast %div3A_352 : f32 to vector<40x128xf32>
      %sub3A_478 = arith.subf %get3A_107, %sub3A_477 : vector<40x128xf32>
      %sub3A_479 = vector.broadcast %div3A_356 : f32 to vector<40x128xf32>
      %sub3A_480 = arith.subf %get3A_112, %sub3A_479 : vector<40x128xf32>
      %sub3A_481 = vector.broadcast %div3A_360 : f32 to vector<40x128xf32>
      %sub3A_482 = arith.subf %get3A_117, %sub3A_481 : vector<40x128xf32>
      %mul3A_483 = vector.broadcast %div3A_382 : f32 to vector<40x128xf32>
      %mul3A_484 = arith.mulf %sub3A_478, %mul3A_483 : vector<40x128xf32>
      %mul3A_485 = vector.broadcast %div3A_383 : f32 to vector<40x128xf32>
      %mul3A_486 = arith.mulf %sub3A_480, %mul3A_485 : vector<40x128xf32>
      %add3A_487 = arith.addf %mul3A_484, %mul3A_486 : vector<40x128xf32>
      %mul3A_488 = vector.broadcast %div3A_384 : f32 to vector<40x128xf32>
      %mul3A_489 = arith.mulf %sub3A_482, %mul3A_488 : vector<40x128xf32>
      %add3A_490 = arith.addf %add3A_487, %mul3A_489 : vector<40x128xf32>
      %mul3A_491 = vector.broadcast %div3A_382 : f32 to vector<40x128xf32>
      %mul3A_492 = arith.mulf %add3A_490, %mul3A_491 : vector<40x128xf32>
      %sub3A_493 = arith.subf %sub3A_478, %mul3A_492 : vector<40x128xf32>
      %mul3A_494 = vector.broadcast %div3A_383 : f32 to vector<40x128xf32>
      %mul3A_495 = arith.mulf %add3A_490, %mul3A_494 : vector<40x128xf32>
      %sub3A_496 = arith.subf %sub3A_480, %mul3A_495 : vector<40x128xf32>
      %mul3A_497 = vector.broadcast %div3A_384 : f32 to vector<40x128xf32>
      %mul3A_498 = arith.mulf %add3A_490, %mul3A_497 : vector<40x128xf32>
      %sub3A_499 = arith.subf %sub3A_482, %mul3A_498 : vector<40x128xf32>
      %mul3A_500 = arith.mulf %sub3A_493, %sub3A_493 : vector<40x128xf32>
      %mul3A_501 = arith.mulf %sub3A_496, %sub3A_496 : vector<40x128xf32>
      %add3A_502 = arith.addf %mul3A_500, %mul3A_501 : vector<40x128xf32>
      %mul3A_503 = arith.mulf %sub3A_499, %sub3A_499 : vector<40x128xf32>
      %add3A_504 = arith.addf %add3A_502, %mul3A_503 : vector<40x128xf32>
      %sqrt3A_505 = math.sqrt %add3A_504 : vector<40x128xf32>
      %abs3A_506 = math.absf %add3A_490 : vector<40x128xf32>
      %div3A_507 = arith.constant 5.000000e-01 : f32
      %div3A_508 = vector.broadcast %div3A_507 : f32 to vector<40x128xf32>
      %div3A_509 = arith.divf %abs3A_506, %div3A_508 : vector<40x128xf32>
      %sub3A_510 = arith.constant 1.000000e+00 : f32
      %sub3A_511 = vector.broadcast %sub3A_510 : f32 to vector<40x128xf32>
      %sub3A_512 = arith.subf %sub3A_511, %div3A_509 : vector<40x128xf32>
      %max3A_513 = arith.constant 0.000000e+00 : f32
      %max3A_514 = vector.broadcast %max3A_513 : f32 to vector<40x128xf32>
      %max3A_515 = arith.maximumf %sub3A_512, %max3A_514 : vector<40x128xf32>
      %mul3A_516 = vector.broadcast %div3A_419 : f32 to vector<40x128xf32>
      %mul3A_517 = arith.mulf %sqrt3A_505, %mul3A_516 : vector<40x128xf32>
      %sub3A_518 = arith.constant 1.000000e+00 : f32
      %sub3A_519 = vector.broadcast %sub3A_518 : f32 to vector<40x128xf32>
      %sub3A_520 = arith.subf %sub3A_519, %mul3A_517 : vector<40x128xf32>
      %max3A_521 = arith.constant 0.000000e+00 : f32
      %max3A_522 = vector.broadcast %max3A_521 : f32 to vector<40x128xf32>
      %max3A_523 = arith.maximumf %sub3A_520, %max3A_522 : vector<40x128xf32>
      %mul3A_524 = arith.mulf %max3A_515, %max3A_523 : vector<40x128xf32>
      %mul3A_525 = arith.mulf %mul3A_524, %sub3A_478 : vector<40x128xf32>
      %integer_pow3A_526 = arith.mulf %mul3A_525, %mul3A_525 : vector<40x128xf32>
      %mul3A_527 = arith.mulf %mul3A_524, %sub3A_480 : vector<40x128xf32>
      %integer_pow3A_528 = arith.mulf %mul3A_527, %mul3A_527 : vector<40x128xf32>
      %add3A_529 = arith.addf %integer_pow3A_526, %integer_pow3A_528 : vector<40x128xf32>
      %mul3A_530 = arith.mulf %mul3A_524, %sub3A_482 : vector<40x128xf32>
      %integer_pow3A_531 = arith.mulf %mul3A_530, %mul3A_530 : vector<40x128xf32>
      %add3A_532 = arith.addf %add3A_529, %integer_pow3A_531 : vector<40x128xf32>
      %add3A_533 = arith.addf %add3A_476, %add3A_532 : vector<40x128xf32>
      %sub3A_534 = vector.broadcast %div3A_352 : f32 to vector<40x128xf32>
      %sub3A_535 = arith.subf %get3A_122, %sub3A_534 : vector<40x128xf32>
      %sub3A_536 = vector.broadcast %div3A_356 : f32 to vector<40x128xf32>
      %sub3A_537 = arith.subf %get3A_127, %sub3A_536 : vector<40x128xf32>
      %sub3A_538 = vector.broadcast %div3A_360 : f32 to vector<40x128xf32>
      %sub3A_539 = arith.subf %get3A_132, %sub3A_538 : vector<40x128xf32>
      %mul3A_540 = vector.broadcast %div3A_382 : f32 to vector<40x128xf32>
      %mul3A_541 = arith.mulf %sub3A_535, %mul3A_540 : vector<40x128xf32>
      %mul3A_542 = vector.broadcast %div3A_383 : f32 to vector<40x128xf32>
      %mul3A_543 = arith.mulf %sub3A_537, %mul3A_542 : vector<40x128xf32>
      %add3A_544 = arith.addf %mul3A_541, %mul3A_543 : vector<40x128xf32>
      %mul3A_545 = vector.broadcast %div3A_384 : f32 to vector<40x128xf32>
      %mul3A_546 = arith.mulf %sub3A_539, %mul3A_545 : vector<40x128xf32>
      %add3A_547 = arith.addf %add3A_544, %mul3A_546 : vector<40x128xf32>
      %mul3A_548 = vector.broadcast %div3A_382 : f32 to vector<40x128xf32>
      %mul3A_549 = arith.mulf %add3A_547, %mul3A_548 : vector<40x128xf32>
      %sub3A_550 = arith.subf %sub3A_535, %mul3A_549 : vector<40x128xf32>
      %mul3A_551 = vector.broadcast %div3A_383 : f32 to vector<40x128xf32>
      %mul3A_552 = arith.mulf %add3A_547, %mul3A_551 : vector<40x128xf32>
      %sub3A_553 = arith.subf %sub3A_537, %mul3A_552 : vector<40x128xf32>
      %mul3A_554 = vector.broadcast %div3A_384 : f32 to vector<40x128xf32>
      %mul3A_555 = arith.mulf %add3A_547, %mul3A_554 : vector<40x128xf32>
      %sub3A_556 = arith.subf %sub3A_539, %mul3A_555 : vector<40x128xf32>
      %mul3A_557 = arith.mulf %sub3A_550, %sub3A_550 : vector<40x128xf32>
      %mul3A_558 = arith.mulf %sub3A_553, %sub3A_553 : vector<40x128xf32>
      %add3A_559 = arith.addf %mul3A_557, %mul3A_558 : vector<40x128xf32>
      %mul3A_560 = arith.mulf %sub3A_556, %sub3A_556 : vector<40x128xf32>
      %add3A_561 = arith.addf %add3A_559, %mul3A_560 : vector<40x128xf32>
      %sqrt3A_562 = math.sqrt %add3A_561 : vector<40x128xf32>
      %abs3A_563 = math.absf %add3A_547 : vector<40x128xf32>
      %div3A_564 = arith.constant 5.000000e-01 : f32
      %div3A_565 = vector.broadcast %div3A_564 : f32 to vector<40x128xf32>
      %div3A_566 = arith.divf %abs3A_563, %div3A_565 : vector<40x128xf32>
      %sub3A_567 = arith.constant 1.000000e+00 : f32
      %sub3A_568 = vector.broadcast %sub3A_567 : f32 to vector<40x128xf32>
      %sub3A_569 = arith.subf %sub3A_568, %div3A_566 : vector<40x128xf32>
      %max3A_570 = arith.constant 0.000000e+00 : f32
      %max3A_571 = vector.broadcast %max3A_570 : f32 to vector<40x128xf32>
      %max3A_572 = arith.maximumf %sub3A_569, %max3A_571 : vector<40x128xf32>
      %mul3A_573 = vector.broadcast %div3A_419 : f32 to vector<40x128xf32>
      %mul3A_574 = arith.mulf %sqrt3A_562, %mul3A_573 : vector<40x128xf32>
      %sub3A_575 = arith.constant 1.000000e+00 : f32
      %sub3A_576 = vector.broadcast %sub3A_575 : f32 to vector<40x128xf32>
      %sub3A_577 = arith.subf %sub3A_576, %mul3A_574 : vector<40x128xf32>
      %max3A_578 = arith.constant 0.000000e+00 : f32
      %max3A_579 = vector.broadcast %max3A_578 : f32 to vector<40x128xf32>
      %max3A_580 = arith.maximumf %sub3A_577, %max3A_579 : vector<40x128xf32>
      %mul3A_581 = arith.mulf %max3A_572, %max3A_580 : vector<40x128xf32>
      %mul3A_582 = arith.mulf %mul3A_581, %sub3A_535 : vector<40x128xf32>
      %integer_pow3A_583 = arith.mulf %mul3A_582, %mul3A_582 : vector<40x128xf32>
      %mul3A_584 = arith.mulf %mul3A_581, %sub3A_537 : vector<40x128xf32>
      %integer_pow3A_585 = arith.mulf %mul3A_584, %mul3A_584 : vector<40x128xf32>
      %add3A_586 = arith.addf %integer_pow3A_583, %integer_pow3A_585 : vector<40x128xf32>
      %mul3A_587 = arith.mulf %mul3A_581, %sub3A_539 : vector<40x128xf32>
      %integer_pow3A_588 = arith.mulf %mul3A_587, %mul3A_587 : vector<40x128xf32>
      %add3A_589 = arith.addf %add3A_586, %integer_pow3A_588 : vector<40x128xf32>
      %add3A_590 = arith.addf %add3A_533, %add3A_589 : vector<40x128xf32>
      %dot_general3A = arith.constant dense<0.000000e+00> : vector<40x128xf32>
      %dot_general3A_591 = tpu.matmul %convert_element_type3A_343, %convert_element_type3A_7, %dot_general3A {dimension_numbers = #tpu.dot_dimension_numbers<[1], [0], [0], [1], [0, 0, 1, 1], [], []>, transpose_lhs_hint = false} : vector<40x128xf32>, vector<128x128xf32>, vector<40x128xf32> -> vector<40x128xf32>
      %dot_general3A_592 = arith.constant dense<0.000000e+00> : vector<40x128xf32>
      %dot_general3A_593 = tpu.matmul %convert_element_type3A_11, %dot_general3A_591, %dot_general3A_592 {dimension_numbers = #tpu.dot_dimension_numbers<[1], [0], [0], [1], [0, 0, 1, 1], [], []>, transpose_lhs_hint = false} : vector<40x40xf32>, vector<40x128xf32>, vector<40x128xf32> -> vector<40x128xf32>
      %slice3A = vector.extract_strided_slice %dot_general3A_593 {offsets = [0, 127], sizes = [40, 1], strides = [1, 1]} : vector<40x128xf32> to vector<40x1xf32>
      %add3A_594 = vector.broadcast %slice3A : vector<40x1xf32> to vector<40x128xf32>
      %add3A_595 = arith.addf %add3A_594, %dot_general3A_591 : vector<40x128xf32>
      %sub3A_596 = arith.constant 128 : i32
      %sub3A_597 = arith.subi %sub3A_596, %while3A_153 : i32
      %convert_element_type3A_598 = arith.sitofp %sub3A_597 : i32 to f32
      %le3A_599 = vector.broadcast %convert_element_type3A_598 : f32 to vector<40x128xf32>
      %le3A_600 = arith.cmpf ole, %add3A_595, %le3A_599 : vector<40x128xf32>
      %and3A_601 = arith.andi %and3A_341, %le3A_600 : vector<40x128xi1>
      %jit3A_602 = arith.constant 0.000000e+00 : f32
      %broadcast_in_dim3A_603 = vector.broadcast %jit3A_602 : f32 to vector<40x128xf32>
      %select_n3A_604 = arith.select %and3A_601, %add3A_590, %broadcast_in_dim3A_603 : vector<40x128xi1>, vector<40x128xf32>
      %reduce_sum3A_605 = vector.shape_cast %select_n3A_604 : vector<40x128xf32> to vector<1x40x128xf32>
      %reduce_sum3A_606 = arith.constant dense<0.000000e+00> : vector<1xf32>
      %reduce_sum3A_607 = vector.multi_reduction <add>, %reduce_sum3A_605, %reduce_sum3A_606 [1, 2] : vector<1x40x128xf32> to vector<1xf32>
      %reduce_sum3A_608 = vector.shape_cast %reduce_sum3A_607 : vector<1xf32> to vector<1x1x1xf32>
      %reduce_sum3A_609 = vector.extract %reduce_sum3A_608[0, 0, 0] : f32 from vector<1x1x1xf32>
      %add3A_610 = arith.addf %while3A_154, %reduce_sum3A_609 : f32
      %add3A_611 = arith.addi %while3A_153, %reduce_sum3A_349 : i32
      %min3A_612 = arith.constant 128 : i32
      %min3A_613 = arith.minsi %add3A_611, %min3A_612 : i32
      %add3A_614 = arith.constant 1 : i32
      %add3A_615 = arith.addi %while3A_152, %add3A_614 : i32
      scf.yield %add3A_615, %min3A_613, %add3A_610 : i32, i32, f32
    }
    %add3A_149 = arith.addf %add3A_87, %while3A_148#2 : f32
    %swap3A = arith.constant 0 : index
    %swap3A_150 = arith.constant 0 : index
    %swap3A_151 = memref.load %arg1[%swap3A, %swap3A_150] : memref<1x1xf32, #tpu.memory_space<smem>>
    memref.store %add3A_149, %arg1[%swap3A, %swap3A_150] : memref<1x1xf32, #tpu.memory_space<smem>>
    return
  }
}

</mosaic_0001>

<sc_bundles>
// kernel: kernel.4.cloned.1.call-start
scs
__scs_entry_jumppad:
0x0: {  	(pc) =	sbr.rel $0x88, $3  }
0x1: {  	(tag) =	ssettag $0x0;
	lr =	simm.s32 $0x1  }
0x2: {  	[smem:$0x3F9F] =	sst lr;
	_ =	strace $0xD0000000  }
0x3: {  	_ = 	snop  }
0x4: {  	_ = 	snop  }
0x5: {  	_ = 	snop  }
0x6: {  	_ = 	snop  }
0x7: {  	_ = 	snop  }
__scs_overlays_trampoline_lowered:
0x8: {  	[smem:$0x3FAE] =	sst s0  }
0x9: {  	[smem:$0x3FAF] =	sst s1  }
0xa: {  	[smem:$0x3FB0] =	sst s2  }
0xb: {  	[smem:$0x3FB1] =	sst s3  }
0xc: {  	[smem:$0x3FB2] =	sst s4  }
0xd: {  	[smem:$0x3FB3] =	sst s5  }
0xe: {  	[smem:$0x3FB4] =	sst s6  }
0xf: {  	[smem:$0x3FB5] =	sst s7  }
0x10: {  	[smem:$0x3FB6] =	sst s8  }
0x11: {  	[smem:$0x3FB7] =	sst s9;
	s0 =	simm.s32 @!p0 $0x0  }
0x12: {  	s1 =	sld [smem:$0x3F9D];
	s0 =	simm.s32 @p0 $0x1  }
0x13: {  	[smem:$0x3FB8] =	sst s0;
	s0 =	simm.s32 @!p1 $0x0  }
0x14: {  	s2 =	sld [smem:$0x3F9C];
	s0 =	simm.s32 @p1 $0x1  }
0x15: {  	[smem:$0x3FB9] =	sst s0;
	s0 =	simm.s32 @!p2 $0x0  }
0x16: {  	s3 =	sld [smem:$0x3FDB];
	s0 =	simm.s32 @p2 $0x1  }
0x17: {  	s4 =	simm.s32 $0x1BF5;
	[smem:$0x3FBB] =	sst s0  }
0x18: {  	s0 =	sld [smem:$0x3F9E];
	_ =	swait.ge [sflag:s4], $0x0  }
0x19: {  	s7 =	sld [smem:$0x3F9F]  }
0x1a: {  	s8 =	sadd.s32 $0xFFFFE003, lr  }
0x1b: {  	s9 =	sadd.s32 $0xFFFFFEF7, lr;
	s5 =	simm.s32 $0xFFFFFFFF;
	p2 =	slt.u32 s8, $0xFFFFF086  }
0x1c: {  	p1 =	slt.u32 s9, $0xF7A;
	s5 =	simm.s32 @!p2 $0x0  }
0x1d: {  	s5 =	simm.s32 @p1 $0x1;
	p0 =	seq.s32 s7, s2  }
0x1e: {  	s7 =	smul.u32 @!p0 $0xF7A, s2;
	p2 =	seq.s32 @!p0 s5, $0x0  }
0x1f: {  	s9 =	smul.u32 $0xF7A, s1;
	s8 =	simm.s32 @!p0 $0x1BF5;
	p2 =	por !p2, p0  }
0x20: {  	[sflag:s8] =	ssyncset.s32 @!p0 $0xFFFFF086;
	s6 =	sadd.s32 @!p0 s3, s7;
	s7 =	simm.s32 @!p0 $0x108  }
0x21: {  	s3 =	sadd.s32 s3, s9;
	s6 =	sadd.s32 @!p0 $0x88, s6;
	s7 =	simm.s32 @p2 $0x1082  }
0x22: {  	[simem:s7], [sflag:s8] =	dma.local @!p0 [hbm:s6], $0xF7A  }
0x23: {  	s9 =	sor.u32 $0xD0000000, s2;
	s6 =	simm.s32 $0x108;
	_ =	swait.ge @!p0 [sflag:s8], $0x0  }
0x24: {  	s3 =	sadd.s32 $0x88, s3;
	s6 =	simm.s32 @!p1 $0x1082;
	[sflag:s4] =	ssyncset.s32 $0xFFFFF086  }
0x25: {  	[simem:s6], [sflag:s4] =	dma.local [hbm:s3], $0xF7A  }
0x26: {  	[smem:$0x3F9F] =	sst s1;
	(tag) =	ssettag s2;
	_ =	strace s9  }
0x27: {  	s1 =	sld [smem:$0x3FAF]  }
0x28: {  	s2 =	sld [smem:$0x3FB0]  }
0x29: {  	s4 =	sld [smem:$0x3FB2]  }
0x2a: {  	p0 =	seq.s32 s5, $0x0;
	s5 =	sld [smem:$0x3FB3]  }
0x2b: {  	s6 =	sld [smem:$0x3FB4]  }
0x2c: {  	s7 =	sld [smem:$0x3FB5]  }
0x2d: {  	s3 =	simm.s32 $0x108;
	s8 =	sld [smem:$0x3FB6]  }
0x2e: {  	s3 =	simm.s32 @!p0 $0x1082;
	s9 =	sld [smem:$0x3FB7]  }
0x2f: {  	lr =	sadd.s32 s0, s3;
	s0 =	sld [smem:$0x3FAE]  }
0x30: {  	s3 =	sld [smem:$0x3FB1]  }
0x31: {  	[smem:$0x3FBA] =	sst s10  }
0x32: {  	s10 =	sld [smem:$0x3FB8];
	_ =	sdelay $0x3  }
0x33: {  	p0 =	seq.s32 s10, $0x1;
	s10 =	sld [smem:$0x3FBA];
	_ =	sdelay $0x3  }
0x34: {  	[smem:$0x3FBA] =	sst s10  }
0x35: {  	s10 =	sld [smem:$0x3FB9];
	_ =	sdelay $0x3  }
0x36: {  	p1 =	seq.s32 s10, $0x1;
	s10 =	sld [smem:$0x3FBA];
	_ =	sdelay $0x3  }
0x37: {  	[smem:$0x3FBA] =	sst s10  }
0x38: {  	s10 =	sld [smem:$0x3FBB]  }
0x39: {  	_ = 	snop;
	(pc) =	sbr.ind lr, $3  }
0x3a: {  	_ = 	snop  }
0x3b: {  	_ = 	snop  }
0x3c: {  	p2 =	seq.s32 s10, $0x1;
	s10 =	sld [smem:$0x3FBA]  }
0x3d: {  	_ =	shalt  }
0x3e: {  	_ =	shalt  }
0x3f: {  	_ =	shalt  }
0x40: {  	_ =	shalt  }
0x41: {  	_ =	shalt  }
0x42: {  	_ =	shalt  }
0x43: {  	_ =	shalt  }
0x44: {  	_ =	shalt  }
0x45: {  	_ =	shalt  }
0x46: {  	_ =	shalt  }
0x47: {  	_ =	shalt  }
0x48: {  	_ =	shalt  }
0x49: {  	_ =	shalt  }
0x4a: {  	_ =	shalt  }
0x4b: {  	_ =	shalt  }
0x4c: {  	_ =	shalt  }
0x4d: {  	_ =	shalt  }
0x4e: {  	_ =	shalt  }
0x4f: {  	_ =	shalt  }
0x50: {  	_ =	shalt  }
0x51: {  	_ =	shalt  }
0x52: {  	_ =	shalt  }
0x53: {  	_ =	shalt  }
0x54: {  	_ =	shalt  }
0x55: {  	_ =	shalt  }
0x56: {  	_ =	shalt  }
0x57: {  	_ =	shalt  }
0x58: {  	_ =	shalt  }
0x59: {  	_ =	shalt  }
0x5a: {  	_ =	shalt  }
0x5b: {  	_ =	shalt  }
0x5c: {  	_ =	shalt  }
0x5d: {  	_ =	shalt  }
0x5e: {  	_ =	shalt  }
0x5f: {  	_ =	shalt  }
0x60: {  	_ =	shalt  }
0x61: {  	_ =	shalt  }
0x62: {  	_ =	shalt  }
0x63: {  	_ =	shalt  }
0x64: {  	_ =	shalt  }
0x65: {  	_ =	shalt  }
0x66: {  	_ =	shalt  }
0x67: {  	_ =	shalt  }
0x68: {  	_ =	shalt  }
0x69: {  	_ =	shalt  }
0x6a: {  	_ =	shalt  }
0x6b: {  	_ =	shalt  }
0x6c: {  	_ =	shalt  }
0x6d: {  	_ =	shalt  }
0x6e: {  	_ =	shalt  }
0x6f: {  	_ =	shalt  }
0x70: {  	_ =	shalt  }
0x71: {  	_ =	shalt  }
0x72: {  	_ =	shalt  }
0x73: {  	_ =	shalt  }
0x74: {  	_ =	shalt  }
0x75: {  	_ =	shalt  }
0x76: {  	_ =	shalt  }
0x77: {  	_ =	shalt  }
0x78: {  	_ =	shalt  }
0x79: {  	_ =	shalt  }
0x7a: {  	_ =	shalt  }
0x7b: {  	_ =	shalt  }
0x7c: {  	_ =	shalt  }
0x7d: {  	_ =	shalt  }
0x7e: {  	_ =	shalt  }
0x7f: {  	_ =	shalt  }
0x80: {  	_ =	shalt  }
0x81: {  	_ =	shalt  }
0x82: {  	_ =	shalt  }
0x83: {  	_ =	shalt  }
0x84: {  	_ =	shalt  }
0x85: {  	_ =	shalt  }
0x86: {  	_ =	shalt  }
0x87: {  	_ =	shalt  }
.Lfunc_end0:
.L_simem_size_0:
called_computation_lowered:
.L_overlay_start_0:
0x88: {  	s2 =	sld [smem:$0x3FD9]  }
0x89: {  	s3 =	sld [smem:$0x3FFE];
	_ =	sdelay $0x1  }
0x8a: {  	s1 =	srdreg.scid  }
0x8b: {  	s0 =	sand.u32 $0x1, s1  }
0x8c: {  	s16 =	sshll.u32 s0, $0xA;
	s2 =	sadd.s32 s3, s2  }
0x8d: {  	s2 =	sadd.s32 s2, s16  }
0x8e: {  	[smem:$0x3FC6] =	sst s2  }
0x8f: {  	_ = 	snop  }
0x90: {  	(tm) =	ssettm $0x1  }
0x91: {  	s17 =	sld [smem:$0x3FFB];
	_ =	sdelay $0x3  }
0x92: {  	_ =	strace s17  }
0x93: {  	s2 =	sld [smem:$0x3FFC];
	_ =	sdelay $0x3  }
0x94: {  	_ =	strace s2  }
0x95: {  	s2 =	sld [smem:$0x3FFD];
	_ =	sdelay $0x3  }
0x96: {  	_ =	strace s2  }
0x97: {  	_ =	strace $0x8FFFFFFF  }
0x98: {  	s18 =	sld [smem:$0x3FDB];
	_ =	sdelay $0x1  }
0x99: {  	s19 =	simm.s32 $_scs_section_size  }
0x9a: {  	s4 =	simm.s32 $_size__tile_overlayer_lowered;
	s5 =	simm.s32 $_tile_overlayer_lowered  }
0x9b: {  	s22 =	simm.s32 $0x1BFF;
	s21 =	sshll.u32 s5, $0x1;
	s2 =	sadd.s32 s19, s18  }
0x9c: {  	s6 =	simm.s32 $0x0;
	s20 =	sshll.u32 s4, $0x1;
	s4 =	sadd.s32 s21, s2  }
0x9d: {  	[timem:s6], [sflag:s22] =	dma.local [hbm:s4], s20  }
0x9e: {  	_ =	swait.ge [sflag:s22], s20  }
0x9f: {  	s3 =	ssub.s32 $0x0, s20;
	[sflag:s22] =	ssyncset.done $0x0  }
0xa0: {  	[sflag:s22] =	ssyncadd.s32 s3;
	_ =	sdelay $0x1  }
0xa1: {  	s23 =	simm.s32 $0x1B8B  }
0xa2: {  	_ =	swait.ge [sflag:s23], $0x1  }
0xa3: {  	[sflag:s23] =	ssyncset.done $0x0  }
0xa4: {  	s25 =	simm.s32 $0x1B8E;
	s24 =	sld [smem:$0x3FFE];
	[sflag:s23] =	ssyncadd.s32 $0xFFFFFFFF  }
0xa5: {  	s26 =	simm.s32 $execute0_lowered;
	[smem:$0x3FD2] =	sst s25  }
0xa6: {  	s4 =	sshll.u32 s26, $0x1;
	_ =	strace $0x80000046;
	[dreg:$0x1] =	wrdreg $0xFFFFFFFF  }
0xa7: {  	s28 =	simm.s32 $_size_execute0_lowered;
	s2 =	sadd.s32 s2, s4;
	[dreg:$0x0] =	wrdreg $0x0  }
0xa8: {  	s4 =	sshll.u32 s28, $0x1;
	[dreg:$0x2] =	wrdreg s2  }
0xa9: {  	[dreg:$0x3] =	wrdreg s4  }
0xaa: {  	[dreg:$0x4] =	wrdreg $0xC0  }
0xab: {  	_ =	task [dreg:s6], $0x5FFFF  }
0xac: {  	[dreg:$0x1] =	wrdreg $0xFFFFFFFF  }
0xad: {  	[dreg:$0x0] =	wrdreg $0x60  }
0xae: {  	[dreg:$0x2] =	wrdreg s24  }
0xaf: {  	[dreg:$0x3] =	wrdreg $0x9  }
0xb0: {  	_ =	task.clear_ibuf [dreg:s6], $0x4FFFF;
	_ =	strace $0x90000046  }
0xb1: {  	s29 =	simm.s32 $0x9;
	_ =	strace $0x80000048  }
0xb2: {  	_ =	swait.ge [sflag:s29], $0x1  }
0xb3: {  	[sflag:s29] =	ssyncadd.s32 $0xFFFFFFFF  }
0xb4: {  	_ =	strace $0x90000048  }
0xb5: {  	_ =	sfence  }
0xb6: {  	s30 =	sld [smem:$0x0];
	_ =	sdelay $0x2  }
0xb7: {  	s31 =	sshll.u32 s1, $0xD;
	s1 =	sshrl.u32 s1, $0x2  }
0xb8: {  	s3 =	sand.u32 $0x4000, s31;
	s1 =	sadd.s32 s1, s30  }
0xb9: {  	s0 =	sor.u32 s3, s0;
	s1 =	sshll.u32 s1, $0x11  }
0xba: {  	s0 =	sor.u32 s1, s0  }
0xbb: {  	s0 =	sadd.s32 $0x8F2B, s0  }
0xbc: {  	[sflag:s0] =	ssyncadd.remote.s32 $0x1  }
0xbd: {  	_ =	sfence.sel $0xFFFF  }
0xbe: {  	[dreg:$0x0] =	wrdreg $0xFFFFFFFF;
	(pc) =	sbr.abs _section_cstart, $3  }
0xbf: {  	[dreg:$0x1] =	wrdreg $0xFFFFFFFF  }
0xc0: {  	_ =	task.clear_ibuf [dreg:s6], $0x2FFFF;
	_ =	strace $0x9FFFFFFF  }
0xc1: {  	(tm) =	ssettm $0x7FFFFFFF  }
tec
execute0_lowered:
.L_overlay_start_1:
0x0: {  	(tag) =	ssettag $0x1  }
0x1: {  	s0 =	rddreg [dreg:$0x0];
	s2 =	stileid.u32  }
0x2: {  	s1 =	srdreg.scid;
	s18 =	simm.s32 $0x2;
	s19 =	simm.s32 $0x1D80  }
0x3: {  	s24 =	simm.s32 $0x2680;
	s25 =	simm.s32 $0x27C0;
	s28 =	simm.s32 $0x2A40  }
0x4: {  	s29 =	simm.s32 $0x2B80;
	s30 =	simm.s32 $0x2CC0;
	s31 =	simm.s32 $0x2E00  }
0x5: {  	s3 =	smul.u32 $0x140, s2;
	s1 =	sand.u32 $0x1, s1;
	s2 =	simm.s32 $0x0  }
0x6: {  	s20 =	simm.s32 $0x0;
	s4 =	smul.u32 $0x3AB, s1;
	[smem:$0x7FF] =	sst s2  }
0x7: {  	s5 =	smul.u32 $0xB400, s1;
	s1 =	ssub.s32 $0x2, s1;
	s11 =	smin.u32 s3, $0x1248  }
0x8: {  	_ =	strace $0x80000047;
	s26 =	sshrl.u32 s1, $0x1;
	s3 =	smul.u32 $0x3, s11  }
0x9: {  	s4 =	sadd.s32 s4, s0;
	s5 =	sadd.s32 s5, s11;
	s1 =	ssub.s32 s1, s26  }
0xa: {  	s13 =	sshrl.u32 s11, $0x3;
	s26 =	simm.s32 $0x2900;
	s5 =	sshrl.u32 s5, $0x3  }
0xb: {  	s17 =	smax.u32 s1, $0x1;
	s1 =	simm.s32 $0x2F40;
	s3 =	sshrl.u32 s3, $0x3  }
0xc: {  	s6 =	sadd.s32 s3, s0;
	s0 =	sadd.s32 $0x1800, s0;
	s3 =	sadd.s32 $0x800, s4  }
0xd: {  	s4 =	sadd.s32 $0x1000, s6;
	s5 =	sadd.s32 s0, s5;
	s0 =	sadd.s32 s0, s13  }
0xe: {  	v0 =	vlaneseq.u32;
	s6 =	sadd.s32 $0x280, s5;
	s7 =	sadd.s32 $0x500, s5;
	s8 =	sadd.s32 $0x780, s5  }
0xf: {  	v0 =	vmul.u32 $0x3, v0;
	s9 =	sadd.s32 $0xA00, s5;
	s10 =	sadd.s32 $0xC80, s5;
	s11 =	sadd.s32 $0xF00, s5  }
0x10: {  	s12 =	sadd.s32 $0x1180, s5;
	s13 =	sadd.s32 $0x1400, s5;
	s14 =	sadd.s32 $0x2D00, s0  }
0x11: {  	v1 =	vadd.s32 $0x1, v0;
	v2 =	vadd.s32 $0x2, v0;
	s15 =	sadd.s32 $0x2F80, s0;
	s16 =	sadd.s32 $0x3200, s0;
	s0 =	simm.s32 $0x1  }
.LBB2_1:
0x12: {  	[tilespmem:s2], [sflag:$0x2] =	stream.linear.gather [hbm4b:s3+s2], $0x1D52, $0x38;
	[tilespmem:$0x3080] =	vst v63  }
0x13: {  	_ =	swait.ge [sflag:s18], $0x1D52  }
0x14: {  	[sflag:s18] =	ssyncset.done $0x0  }
0x15: {  	[sflag:s18] =	ssyncadd.s32 $0xFFFFE2AE  }
0x16: {  	[tilespmem:s19], [sflag:$0x2] =	stream.linear.gather [hbm4b:s4+s2], $0x3C0, $0x38;
	[tilespmem:$0x3080] =	vst v63  }
0x17: {  	_ =	swait.ge [sflag:s18], $0x3C0  }
0x18: {  	[sflag:s18] =	ssyncset.done $0x0  }
0x19: {  	s21 =	simm.s32 $0x2A40;
	s22 =	simm.s32 $0x0;
	[sflag:s18] =	ssyncadd.s32 $0xFFFFFC40  }
.LBB2_2:
0x1a: {  	v3 =	vmov s22  }
0x1b: {  	v3 =	vmul.u32 $0x3, v3;
	_ =	sdelay $0x1  }
0x1c: {  	v3 =	vbroadcast v3, $0x0;
	_ =	sdelay $0x1  }
0x1d: {  	v4 =	vadd.s32 v0, v3;
	_ =	sdelay $0x4  }
0x1e: {  	v4 =	vld.idx.msk [tilespmem:v4+s19+$0x0], $0xffff;
	_ =	sdelay $0x4  }
0x1f: {  	v5 =	vmul.u32 $0x3, v4;
	_ =	sdelay $0x4  }
0x20: {  	[tilespmem:s21+$0x280] =	vst v4  }
0x21: {  	v4 =	vld.idx.msk [tilespmem:v5+s2+$0x0], $0xffff  }
0x22: {  	v6 =	vadd.s32 $0x1, v5;
	_ =	sdelay $0x3  }
0x23: {  	[tilespmem:s21+$0xFFFFF740] =	vst v4  }
0x24: {  	v4 =	vld.idx.msk [tilespmem:v6+s2+$0x0], $0xffff  }
0x25: {  	v5 =	vadd.s32 $0x2, v5;
	_ =	sdelay $0x3  }
0x26: {  	[tilespmem:s21+$0xFFFFF880] =	vst v4  }
0x27: {  	v4 =	vld.idx.msk [tilespmem:v5+s2+$0x0], $0xffff  }
0x28: {  	v60 =	vadd.s32 v1, v3;
	_ =	sdelay $0x2  }
0x29: {  	s23 =	sand.u32 $0x1F0, s22  }
0x2a: {  	[tilespmem:s23+$0x2400] =	vst v4  }
0x2b: {  	v4 =	vld.idx.msk [tilespmem:v60+s19+$0x0], $0xffff;
	_ =	sdelay $0x4  }
0x2c: {  	v5 =	vmul.u32 $0x3, v4;
	_ =	sdelay $0x4  }
0x2d: {  	[tilespmem:s23+$0x2E00] =	vst v4  }
0x2e: {  	v4 =	vld.idx.msk [tilespmem:v5+s2+$0x0], $0xffff  }
0x2f: {  	v61 =	vadd.s32 $0x1, v5;
	_ =	sdelay $0x3  }
0x30: {  	[tilespmem:s21+$0xFFFFFB00] =	vst v4  }
0x31: {  	v4 =	vld.idx.msk [tilespmem:v61+s2+$0x0], $0xffff  }
0x32: {  	v5 =	vadd.s32 $0x2, v5;
	_ =	sdelay $0x3  }
0x33: {  	[tilespmem:s23+$0x2680] =	vst v4  }
0x34: {  	v4 =	vld.idx.msk [tilespmem:v5+s2+$0x0], $0xffff  }
0x35: {  	v3 =	vadd.s32 v2, v3;
	_ =	sdelay $0x3  }
0x36: {  	[tilespmem:s21+$0xFFFFFD80] =	vst v4  }
0x37: {  	v3 =	vld.idx.msk [tilespmem:v3+s19+$0x0], $0xffff;
	_ =	sdelay $0x4  }
0x38: {  	v62 =	vmul.u32 $0x3, v3;
	_ =	sdelay $0x4  }
0x39: {  	[tilespmem:s21+$0x500] =	vst v3  }
0x3a: {  	v3 =	vld.idx.msk [tilespmem:v62+s2+$0x0], $0xffff  }
0x3b: {  	v63 =	vadd.s32 $0x1, v62;
	_ =	sdelay $0x3  }
0x3c: {  	[tilespmem:s23+$0x2900] =	vst v3  }
0x3d: {  	v3 =	vld.idx.msk [tilespmem:v63+s2+$0x0], $0xffff  }
0x3e: {  	v4 =	vadd.s32 $0x2, v62;
	_ =	sdelay $0x3  }
0x3f: {  	[tilespmem:s21+$0x0] =	vst v3  }
0x40: {  	p0 =	sne.s32 s22, $0x130;
	v3 =	vld.idx.msk [tilespmem:v4+s2+$0x0], $0xffff  }
.Ltmp0:
0x41: {  	_ = 	snop;
	(pc) =	sbr.rel @p0 .LBB2_2-.Ltmp0, $2  }
0x42: {  	_ =	sdelay $0x2  }
0x43: {  	s22 =	sadd.s32 $0x10, s22;
	s21 =	sadd.s32 $0x10, s21;
	[tilespmem:s23+$0x2B80] =	vst v3  }
0x44: {  	s21 =	simm.s32 $0x2180  }
0x45: {  	[hbm4b:s5+s2] =	stream.linear.scatter [tilespmem:s21], [sflag:$0x1], $0x140, $0x38;
	[tilespmem:$0x3080] =	vst v63  }
0x46: {  	s23 =	simm.s32 $0x22C0  }
0x47: {  	[hbm4b:s6+s2] =	stream.linear.scatter [tilespmem:s23], [sflag:$0x1], $0x140, $0x38;
	[tilespmem:$0x3080] =	vst v63  }
0x48: {  	s22 =	simm.s32 $0x2400  }
0x49: {  	[hbm4b:s7+s2] =	stream.linear.scatter [tilespmem:s22], [sflag:$0x1], $0x140, $0x38;
	[tilespmem:$0x3080] =	vst v63  }
0x4a: {  	s23 =	simm.s32 $0x2540  }
0x4b: {  	[hbm4b:s8+s2] =	stream.linear.scatter [tilespmem:s23], [sflag:$0x1], $0x140, $0x38;
	[tilespmem:$0x3080] =	vst v63  }
0x4c: {  	_ = 	snop  }
0x4d: {  	[hbm4b:s9+s2] =	stream.linear.scatter [tilespmem:s24], [sflag:$0x1], $0x140, $0x38;
	[tilespmem:$0x3080] =	vst v63  }
0x4e: {  	_ = 	snop  }
0x4f: {  	[hbm4b:s10+s2] =	stream.linear.scatter [tilespmem:s25], [sflag:$0x1], $0x140, $0x38;
	[tilespmem:$0x3080] =	vst v63  }
0x50: {  	_ = 	snop  }
0x51: {  	[hbm4b:s11+s2] =	stream.linear.scatter [tilespmem:s26], [sflag:$0x1], $0x140, $0x38;
	[tilespmem:$0x3080] =	vst v63  }
0x52: {  	_ = 	snop  }
0x53: {  	[hbm4b:s12+s2] =	stream.linear.scatter [tilespmem:s28], [sflag:$0x1], $0x140, $0x38;
	[tilespmem:$0x3080] =	vst v63  }
0x54: {  	_ = 	snop  }
0x55: {  	[hbm4b:s13+s2] =	stream.linear.scatter [tilespmem:s29], [sflag:$0x1], $0x140, $0x38;
	[tilespmem:$0x3080] =	vst v63  }
0x56: {  	_ = 	snop  }
0x57: {  	[hbm4b:s14+s2] =	stream.linear.scatter [tilespmem:s30], [sflag:$0x1], $0x140, $0x38;
	[tilespmem:$0x3080] =	vst v63  }
0x58: {  	_ = 	snop  }
0x59: {  	[hbm4b:s15+s2] =	stream.linear.scatter [tilespmem:s31], [sflag:$0x1], $0x140, $0x38;
	[tilespmem:$0x3080] =	vst v63  }
0x5a: {  	_ = 	snop  }
0x5b: {  	[hbm4b:s16+s2] =	stream.linear.scatter [tilespmem:s1], [sflag:$0x1], $0x140, $0x38;
	[tilespmem:$0x3080] =	vst v63  }
0x5c: {  	_ =	swait.ge [sflag:s0], $0x140  }
0x5d: {  	[sflag:s0] =	ssyncset.done $0x0  }
0x5e: {  	[sflag:s0] =	ssyncadd.s32 $0xFFFFFEC0  }
0x5f: {  	_ =	swait.ge [sflag:s0], $0x140  }
0x60: {  	[sflag:s0] =	ssyncset.done $0x0  }
0x61: {  	[sflag:s0] =	ssyncadd.s32 $0xFFFFFEC0  }
0x62: {  	_ =	swait.ge [sflag:s0], $0x140  }
0x63: {  	[sflag:s0] =	ssyncset.done $0x0  }
0x64: {  	[sflag:s0] =	ssyncadd.s32 $0xFFFFFEC0  }
0x65: {  	_ =	swait.ge [sflag:s0], $0x140  }
0x66: {  	[sflag:s0] =	ssyncset.done $0x0  }
0x67: {  	[sflag:s0] =	ssyncadd.s32 $0xFFFFFEC0  }
0x68: {  	_ =	swait.ge [sflag:s0], $0x140  }
0x69: {  	[sflag:s0] =	ssyncset.done $0x0  }
0x6a: {  	[sflag:s0] =	ssyncadd.s32 $0xFFFFFEC0  }
0x6b: {  	_ =	swait.ge [sflag:s0], $0x140  }
0x6c: {  	[sflag:s0] =	ssyncset.done $0x0  }
0x6d: {  	[sflag:s0] =	ssyncadd.s32 $0xFFFFFEC0  }
0x6e: {  	_ =	swait.ge [sflag:s0], $0x140  }
0x6f: {  	[sflag:s0] =	ssyncset.done $0x0  }
0x70: {  	[sflag:s0] =	ssyncadd.s32 $0xFFFFFEC0  }
0x71: {  	_ =	swait.ge [sflag:s0], $0x140  }
0x72: {  	[sflag:s0] =	ssyncset.done $0x0  }
0x73: {  	[sflag:s0] =	ssyncadd.s32 $0xFFFFFEC0  }
0x74: {  	_ =	swait.ge [sflag:s0], $0x140  }
0x75: {  	[sflag:s0] =	ssyncset.done $0x0  }
0x76: {  	[sflag:s0] =	ssyncadd.s32 $0xFFFFFEC0  }
0x77: {  	_ =	swait.ge [sflag:s0], $0x140  }
0x78: {  	[sflag:s0] =	ssyncset.done $0x0  }
0x79: {  	s20 =	sadd.s32 $0x1, s20;
	[sflag:s0] =	ssyncadd.s32 $0xFFFFFEC0  }
0x7a: {  	p0 =	sne.s32 s20, s17;
	_ =	swait.ge [sflag:s0], $0x140  }
.Ltmp1:
0x7b: {  	[sflag:s0] =	ssyncset.done $0x0;
	(pc) =	sbr.rel @p0 .LBB2_1-.Ltmp1, $4  }
0x7c: {  	[sflag:s0] =	ssyncadd.s32 $0xFFFFFEC0  }
0x7d: {  	_ =	swait.ge [sflag:s0], $0x140  }
0x7e: {  	[sflag:s0] =	ssyncset.done $0x0  }
0x7f: {  	[sflag:s0] =	ssyncadd.s32 $0xFFFFFEC0  }
0x80: {  	_ =	sfence.sel $0x180000  }
0x81: {  	[bflag:$0x0] =	sbarrier.arrive $0xFFFF  }
0x82: {  	_ =	strace $0x90000047  }
0x83: {  	s0 =	stileid.u32;
	[bflag:$0x2] =	sbarrier.arrive $0xFFFF  }
0x84: {  	p0 =	sne.s32 s0, $0x0;
	s0 =	rddreg [dreg:$0x1]  }
0x85: {  	s0 =	sadd.s32 @!p0 $0x100000, s0  }
0x86: {  	[sflag:s0] =	ssyncadd.tile.s32 @!p0 $0x1;
	_ =	shalt  }
.Lfunc_end2:
_tile_overlayer_lowered:
.L_overlay_start_2:
0x87: {  	(tag) =	ssettag $0x2  }
0x88: {  	s0 =	rddreg [dreg:$0x0];
	s2 =	stileid.u32  }
0x89: {  	s1 =	rddreg [dreg:$0x1];
	p0 =	sne.s32 s2, $0x0  }
0x8a: {  	s3 =	rddreg [dreg:$0x2];
	[bflag:$0x3] =	sbarrier.arrive $0xFFFF;
	s2 =	simm.s32 @!p0 $0x1C02  }
0x8b: {  	[timem:s3], [sflag:s2] =	dma.local @!p0 [hbm:s0], s1  }
0x8c: {  	s0 =	simm.s32 @!p0 $0x2  }
0x8d: {  	_ =	swait.ge @!p0 [sflag:s0], s1  }
0x8e: {  	s1 =	ssub.s32 @!p0 $0x0, s1;
	[sflag:s0] =	ssyncset.done @!p0 $0x0  }
0x8f: {  	[sflag:s0] =	ssyncadd.s32 @!p0 s1  }
0x90: {  	[bflag:$0x3] =	sbarrier.arrive $0xFFFF  }
0x91: {  	_ =	shalt  }

</sc_bundles>
